<compile_context>
chip_gen: v7x
topology: tpu7x:2x2x1
jax: 0.10.2.dev20260603
libtpu: 0.0.44.dev20260713+nightly
codegen_flags: <defaults>
</compile_context>

<pallas_src>
import functools

import jax
import jax.numpy as jnp
from jax import lax
from jax.experimental import pallas as pl
from jax.experimental.pallas import tpu as pltpu
from jax.experimental.pallas import tpu_sc as plsc

N = 10000
E = 320000
D = 128
H = 16
NP = 10240
NW = 32
CH = 128
CPT = 80
EP = NW * CPT * CH
RPT = NP // 16
PK = NP * H // 128

_mesh = plsc.VectorSubcoreMesh(core_axis_name="c", subcore_axis_name="s")
_cp = pltpu.CompilerParams(use_tc_tiling_on_sc=False, needs_layout_passes=False)


def _wid():
    return lax.axis_index("s") * 2 + lax.axis_index("c")



@functools.partial(
    pl.kernel, mesh=_mesh, compiler_params=_cp,
    out_type=jax.ShapeDtypeStruct((2, NP, H), jnp.float32),
    scratch_types=[
        pltpu.VMEM((CPT, CH), jnp.int32),
        pltpu.VMEM((CH, H), jnp.float32),
        pltpu.VMEM_SHARED((NP, H), jnp.float32),
        pltpu.SemaphoreType.DMA,
    ],
)
def _sc_hist(dst2_hbm, zrows_hbm, ones_hbm, out_hbm, dsti_v, ones_v, acc_sh,
             sem):
    c = lax.axis_index("c")
    s = lax.axis_index("s")
    w = _wid()
    pltpu.sync_copy(zrows_hbm, acc_sh.at[pl.ds(s * RPT, RPT)])
    pltpu.sync_copy(ones_hbm, ones_v)
    pltpu.sync_copy(dst2_hbm.at[pl.ds(w * CPT, CPT)], dsti_v)
    plsc.subcore_barrier()

    @pl.loop(0, CPT)
    def _(i):
        pltpu.async_copy(ones_v, acc_sh.at[dsti_v.at[i]], sem, add=True)

    @pl.loop(0, CPT)
    def _(i):
        pltpu.make_async_copy(ones_v, acc_sh.at[dsti_v.at[i]], sem).wait()

    plsc.subcore_barrier()
    pltpu.sync_copy(acc_sh.at[pl.ds(s * RPT, RPT)],
                    out_hbm.at[c].at[pl.ds(s * RPT, RPT)])


@functools.partial(
    pl.kernel, mesh=_mesh, compiler_params=_cp,
    out_type=jax.ShapeDtypeStruct((2, NP, H), jnp.float32),
    scratch_types=[
        pltpu.VMEM((CPT, CH), jnp.int32),
        pltpu.VMEM((CPT, CH), jnp.int32),
        pltpu.VMEM((CH,), jnp.int32),
        [pltpu.VMEM((CH, H), jnp.float32)] * 4,
        [pltpu.SemaphoreType.DMA] * 4,
        [pltpu.SemaphoreType.DMA] * 4,
        pltpu.VMEM_SHARED((NP, H), jnp.float32),
        pltpu.VMEM_SHARED((NP, H), jnp.float32),
    ],
)
def _sc_agg16(src2_hbm, dst2_hbm, tab_hbm, zrows_hbm, out_hbm,
              srci_v, dsti_v, idn_v, rows, gsem, ssem, acc_sh, tab_sh):
    c = lax.axis_index("c")
    s = lax.axis_index("s")
    w = _wid()
    pltpu.sync_copy(zrows_hbm, acc_sh.at[pl.ds(s * RPT, RPT)])
    pltpu.sync_copy(tab_hbm.at[pl.ds(s * RPT, RPT)],
                    tab_sh.at[pl.ds(s * RPT, RPT)])
    pltpu.sync_copy(src2_hbm.at[pl.ds(w * CPT, CPT)], srci_v)
    pltpu.sync_copy(dst2_hbm.at[pl.ds(w * CPT, CPT)], dsti_v)
    plsc.subcore_barrier()

    def _gather(i, b):
        pltpu.async_copy(tab_sh.at[srci_v.at[i]], rows[b], gsem[b])

    def _wait_gather(i, b):
        pltpu.make_async_copy(tab_sh.at[srci_v.at[i]], rows[b], gsem[b]).wait()

    def _scatter(i, b):
        pltpu.async_copy(rows[b], acc_sh.at[dsti_v.at[i]], ssem[b], add=True)

    def _wait_scatter(i, b):
        pltpu.make_async_copy(rows[b], acc_sh.at[dsti_v.at[i]], ssem[b]).wait()

    _gather(0, 0)
    _gather(1, 1)

    @pl.loop(0, CPT, step=4)
    def _(g):
        for b in range(4):
            j = g + b
            _wait_gather(j, b)
            _scatter(j, b)
            i = j + 2
            bi = (b + 2) % 4

            @pl.when(i < CPT)
            def _():
                @pl.when(j >= 2)
                def _():
                    _wait_scatter(j - 2, bi)

                _gather(i, bi)

    _wait_scatter(CPT - 2, (CPT - 2) % 4)
    _wait_scatter(CPT - 1, (CPT - 1) % 4)

    @pl.when(c == 0)
    def _():
        @pl.loop(0, RPT, step=CH)
        def _(r0):
            base = s * RPT + r0

            @pl.loop(0, CH, step=16)
            def _(jj):
                idn_v[pl.ds(jj, 16)] = lax.iota(jnp.int32, 16) + base + jj

            pltpu.sync_copy(tab_sh.at[pl.ds(base, CH)], rows[0])
            pltpu.sync_copy(rows[0], acc_sh.at[idn_v], add=True)

    plsc.subcore_barrier()
    pltpu.sync_copy(acc_sh.at[pl.ds(s * RPT, RPT)],
                    out_hbm.at[c].at[pl.ds(s * RPT, RPT)])



def _tc_mm1scale_body(hist_ref, x_ref, w1_ref, y1_ref):
    dinv = lax.rsqrt(hist_ref[0] + hist_ref[1] + 1.0)
    xw = jnp.dot(x_ref[...], w1_ref[...],
                 preferred_element_type=jnp.float32)
    y1_ref[0:N, :] = xw * dinv[0:N]
    y1_ref[N:NP, :] = jnp.zeros((NP - N, H), jnp.float32)


def _tc_layer2_body(hist2_ref, agg2_ref, b1t_ref, g2_ref):
    dinv = lax.rsqrt(hist2_ref[0:PK] + hist2_ref[PK:2 * PK] + 1.0)
    pre = (agg2_ref[0:PK] + agg2_ref[PK:2 * PK]) * dinv + b1t_ref[...]
    g2_ref[...] = jnp.maximum(pre, 0.0) * dinv


def _tc_final_body(hist2_ref, p2_ref, w2b_ref, b2_ref, o_ref):
    dinv = lax.rsqrt(hist2_ref[0:PK] + hist2_ref[PK:2 * PK] + 1.0)
    t = (p2_ref[0:PK] + p2_ref[PK:2 * PK]) * dinv
    z = jnp.dot(t, w2b_ref[...], preferred_element_type=jnp.float32)
    o_ref[...] = z + b2_ref[...]



def kernel(x, edge_index, W1, b1, W2, b2):
    f32 = jnp.float32
    npad2 = (EP - E) // CH
    pad_src2 = jnp.zeros((npad2, CH), jnp.int32)
    pad_dst2 = N + (jnp.arange(npad2 * CH, dtype=jnp.int32)
                    % (NP - N)).reshape(npad2, CH)
    e2 = edge_index.reshape(2, E // CH, CH)
    src2 = jnp.concatenate([e2[0], pad_src2], axis=0)
    dst2 = jnp.concatenate([e2[1], pad_dst2], axis=0)
    zrows = jnp.zeros((RPT, H), f32)
    onesr = jnp.ones((CH, H), f32)
    b1t = jnp.tile(b1, 8).reshape(1, 128)
    w2blk = (jnp.repeat(jnp.eye(8, dtype=f32), H, axis=0)
             * jnp.tile(W2[:, 0], 8)[:, None])

    hist = _sc_hist(dst2, zrows, onesr)
    hist2 = hist.reshape(2 * PK, 128)

    y1 = pl.pallas_call(
        _tc_mm1scale_body,
        out_shape=jax.ShapeDtypeStruct((NP, H), f32),
    )(hist, x, W1)

    agg = _sc_agg16(src2, dst2, y1, zrows)

    g2 = pl.pallas_call(
        _tc_layer2_body,
        out_shape=jax.ShapeDtypeStruct((PK, 128), f32),
    )(hist2, agg.reshape(2 * PK, 128), b1t)

    p = _sc_agg16(src2, dst2, g2.reshape(NP, H), zrows)

    z = pl.pallas_call(
        _tc_final_body,
        out_shape=jax.ShapeDtypeStruct((PK, 8), f32),
    )(hist2, p.reshape(2 * PK, 128), w2blk, b2.reshape(1, 1))

    return z.reshape(NP)[:N]

# --- scband reference (transcript-rebuilt; emitter-appended) ---
"""Pipeline reference for scband-gnn-82815559401565 (READ-ONLY COPY).

The authoritative reference and input builder live on the scoring server;
editing this copy changes nothing except your own understanding.
"""

import jax, jax.numpy as jnp
import numpy as np

N_NODES = 10000
N_EDGES = 320000
D_FEAT = 128
HIDDEN = 16
OUT = 1


def setup_inputs(seed: int = 0) -> dict:
    key = jax.random.key(seed)
    k1, k2, k3, k4 = jax.random.split(key, 4)
    x = jax.random.normal(k1, (N_NODES, D_FEAT), dtype=jnp.float32)
    edge_index = jax.random.randint(k2, (2, N_EDGES), 0, N_NODES, dtype=jnp.int32)
    # GCNConv layer 1: in=128, out=16 (glorot init like PyG)
    s1 = float(np.sqrt(6.0 / (D_FEAT + HIDDEN)))
    W1 = jax.random.uniform(k3, (D_FEAT, HIDDEN), dtype=jnp.float32, minval=-s1, maxval=s1)
    b1 = jnp.zeros((HIDDEN,), dtype=jnp.float32)
    # GCNConv layer 2: in=16, out=1
    s2 = float(np.sqrt(6.0 / (HIDDEN + OUT)))
    W2 = jax.random.uniform(k4, (HIDDEN, OUT), dtype=jnp.float32, minval=-s2, maxval=s2)
    b2 = jnp.zeros((OUT,), dtype=jnp.float32)
    return {"x": x, "edge_index": edge_index, "W1": W1, "b1": b1, "W2": W2, "b2": b2}


def _gcn_conv(x, src, dst, W, b, num_nodes):
    # x' = D^{-1/2} (A + I) D^{-1/2} X W + b  (PyG GCNConv with add_self_loops=True)
    xw = x @ W
    deg = jnp.zeros((num_nodes,), dtype=x.dtype).at[dst].add(1.0)
    deg_inv_sqrt = jnp.where(deg > 0, 1.0 / jnp.sqrt(deg), 0.0)
    norm = deg_inv_sqrt[src] * deg_inv_sqrt[dst]
    msg = xw[src] * norm[:, None]
    out = jnp.zeros((num_nodes, W.shape[1]), dtype=x.dtype).at[dst].add(msg)
    return out + b


def reference(x, edge_index, W1, b1, W2, b2):
    num_nodes = x.shape[0]
    loop = jnp.arange(num_nodes, dtype=edge_index.dtype)
    src = jnp.concatenate([edge_index[0], loop])
    dst = jnp.concatenate([edge_index[1], loop])
    h = _gcn_conv(x, src, dst, W1, b1, num_nodes)
    h = jax.nn.relu(h)
    out = _gcn_conv(h, src, dst, W2, b2, num_nodes)
    return out.reshape(-1)

if __name__ == "__main__":
    import jax
    _d = setup_inputs()
    print(jax.jit(kernel)(*tuple(_d.values())))

</pallas_src>

<mosaic_0001>
#map = affine_map<(d0, d1) -> (0, 0)>
#map1 = affine_map<(d0, d1) -> (0, 0, 0)>
module attributes {stable_mosaic.version = 14 : i64} {
  func.func @_sc_agg16(%arg0: i32, %arg1: i32, %arg2: memref<2560x128xi32, #tpu.memory_space<hbm>>, %arg3: memref<2560x128xi32, #tpu.memory_space<hbm>>, %arg4: memref<10240x16xf32, #tpu.memory_space<hbm>>, %arg5: memref<640x16xf32, #tpu.memory_space<hbm>>, %arg6: memref<2x10240x16xf32, #tpu.memory_space<hbm>>, %arg7: memref<80x128xi32, #tpu.memory_space<vmem>>, %arg8: memref<80x128xi32, #tpu.memory_space<vmem>>, %arg9: memref<128xi32, #tpu.memory_space<vmem>>, %arg10: memref<128x16xf32, #tpu.memory_space<vmem>>, %arg11: memref<128x16xf32, #tpu.memory_space<vmem>>, %arg12: memref<128x16xf32, #tpu.memory_space<vmem>>, %arg13: memref<128x16xf32, #tpu.memory_space<vmem>>, %arg14: memref<!tpu.dma_semaphore, #tpu.memory_space<semaphore_mem>>, %arg15: memref<!tpu.dma_semaphore, #tpu.memory_space<semaphore_mem>>, %arg16: memref<!tpu.dma_semaphore, #tpu.memory_space<semaphore_mem>>, %arg17: memref<!tpu.dma_semaphore, #tpu.memory_space<semaphore_mem>>, %arg18: memref<!tpu.dma_semaphore, #tpu.memory_space<semaphore_mem>>, %arg19: memref<!tpu.dma_semaphore, #tpu.memory_space<semaphore_mem>>, %arg20: memref<!tpu.dma_semaphore, #tpu.memory_space<semaphore_mem>>, %arg21: memref<!tpu.dma_semaphore, #tpu.memory_space<semaphore_mem>>, %arg22: memref<10240x16xf32, #tpu.memory_space<vmem_shared>>, %arg23: memref<10240x16xf32, #tpu.memory_space<vmem_shared>>) attributes {dimension_semantics = [#tpu.dimension_semantics<core_parallel>, #tpu.dimension_semantics<subcore_parallel>], iteration_bounds = array<i64: 2, 16>, scalar_prefetch = 0 : i64, scratch_operands = 17 : i64, tpu.core_type = #tpu.core_type<sc_vector_subcore>, window_params = [{transform_indices = #map}, {transform_indices = #map}, {transform_indices = #map}, {transform_indices = #map}, {transform_indices = #map1}]} {
    %mul3A = arith.constant 2 : i32
    %mul3A_0 = arith.muli %arg1, %mul3A : i32
    %add3A = arith.addi %mul3A_0, %arg0 : i32
    %mul3A_1 = arith.constant 640 : i32
    %mul3A_2 = arith.muli %arg1, %mul3A_1 : i32
    "tpu.region"() ({
      %run_scoped3A = tpu.sem_alloc : memref<!tpu.dma_semaphore, #tpu.memory_space<semaphore_mem>>
      %dma_start3A_48 = arith.constant 0 : i32
      %dma_start3A_49 = tpu.memref_slice %arg22[%mul3A_2, %dma_start3A_48] : memref<10240x16xf32, #tpu.memory_space<vmem_shared>> -> memref<640x16xf32, #tpu.memory_space<vmem_shared>>
      tpu.enqueue_dma source(%arg5 : memref<640x16xf32, #tpu.memory_space<hbm>>) target(%dma_start3A_49 : memref<640x16xf32, #tpu.memory_space<vmem_shared>>) target_semaphore(%run_scoped3A : memref<!tpu.dma_semaphore, #tpu.memory_space<semaphore_mem>>)
      %dma_wait3A_50 = arith.constant 0 : i32
      %dma_wait3A_51 = tpu.memref_slice %arg22[%mul3A_2, %dma_wait3A_50] : memref<10240x16xf32, #tpu.memory_space<vmem_shared>> -> memref<640x16xf32, #tpu.memory_space<vmem_shared>>
      tpu.wait_dma2 semaphore(%run_scoped3A : memref<!tpu.dma_semaphore, #tpu.memory_space<semaphore_mem>>) src(%arg5 : memref<640x16xf32, #tpu.memory_space<hbm>>) dst(%dma_wait3A_51 : memref<640x16xf32, #tpu.memory_space<vmem_shared>>)
      tpu.yield
    }) : () -> ()
    %mul3A_3 = arith.constant 640 : i32
    %mul3A_4 = arith.muli %arg1, %mul3A_3 : i32
    %mul3A_5 = arith.constant 640 : i32
    %mul3A_6 = arith.muli %arg1, %mul3A_5 : i32
    "tpu.region"() ({
      %run_scoped3A = tpu.sem_alloc : memref<!tpu.dma_semaphore, #tpu.memory_space<semaphore_mem>>
      %dma_start3A_48 = arith.constant 0 : i32
      %dma_start3A_49 = tpu.memref_slice %arg23[%mul3A_6, %dma_start3A_48] : memref<10240x16xf32, #tpu.memory_space<vmem_shared>> -> memref<640x16xf32, #tpu.memory_space<vmem_shared>>
      %dma_start3A_50 = arith.constant 0 : i32
      %dma_start3A_51 = tpu.memref_slice %arg4[%mul3A_4, %dma_start3A_50] : memref<10240x16xf32, #tpu.memory_space<hbm>> -> memref<640x16xf32, #tpu.memory_space<hbm>>
      tpu.enqueue_dma source(%dma_start3A_51 : memref<640x16xf32, #tpu.memory_space<hbm>>) target(%dma_start3A_49 : memref<640x16xf32, #tpu.memory_space<vmem_shared>>) target_semaphore(%run_scoped3A : memref<!tpu.dma_semaphore, #tpu.memory_space<semaphore_mem>>)
      %dma_wait3A_52 = arith.constant 0 : i32
      %dma_wait3A_53 = tpu.memref_slice %arg23[%mul3A_6, %dma_wait3A_52] : memref<10240x16xf32, #tpu.memory_space<vmem_shared>> -> memref<640x16xf32, #tpu.memory_space<vmem_shared>>
      %dma_wait3A_54 = arith.constant 0 : i32
      %dma_wait3A_55 = tpu.memref_slice %arg4[%mul3A_4, %dma_wait3A_54] : memref<10240x16xf32, #tpu.memory_space<hbm>> -> memref<640x16xf32, #tpu.memory_space<hbm>>
      tpu.wait_dma2 semaphore(%run_scoped3A : memref<!tpu.dma_semaphore, #tpu.memory_space<semaphore_mem>>) src(%dma_wait3A_55 : memref<640x16xf32, #tpu.memory_space<hbm>>) dst(%dma_wait3A_53 : memref<640x16xf32, #tpu.memory_space<vmem_shared>>)
      tpu.yield
    }) : () -> ()
    %mul3A_7 = arith.constant 80 : i32
    %mul3A_8 = arith.muli %add3A, %mul3A_7 : i32
    "tpu.region"() ({
      %run_scoped3A = tpu.sem_alloc : memref<!tpu.dma_semaphore, #tpu.memory_space<semaphore_mem>>
      %dma_start3A_48 = arith.constant 0 : i32
      %dma_start3A_49 = tpu.memref_slice %arg2[%mul3A_8, %dma_start3A_48] : memref<2560x128xi32, #tpu.memory_space<hbm>> -> memref<80x128xi32, #tpu.memory_space<hbm>>
      %dma_start3A_50 = arith.constant 0 : i32
      %dma_start3A_51 = tpu.memref_slice %arg2[%mul3A_8, %dma_start3A_50] : memref<2560x128xi32, #tpu.memory_space<hbm>> -> memref<80x128xi32, #tpu.memory_space<hbm>>
      tpu.enqueue_dma source(%dma_start3A_51 : memref<80x128xi32, #tpu.memory_space<hbm>>) target(%arg7 : memref<80x128xi32, #tpu.memory_space<vmem>>) target_semaphore(%run_scoped3A : memref<!tpu.dma_semaphore, #tpu.memory_space<semaphore_mem>>)
      %dma_wait3A_52 = arith.constant 0 : i32
      %dma_wait3A_53 = tpu.memref_slice %arg2[%mul3A_8, %dma_wait3A_52] : memref<2560x128xi32, #tpu.memory_space<hbm>> -> memref<80x128xi32, #tpu.memory_space<hbm>>
      %dma_wait3A_54 = arith.constant 0 : i32
      %dma_wait3A_55 = tpu.memref_slice %arg2[%mul3A_8, %dma_wait3A_54] : memref<2560x128xi32, #tpu.memory_space<hbm>> -> memref<80x128xi32, #tpu.memory_space<hbm>>
      tpu.wait_dma2 semaphore(%run_scoped3A : memref<!tpu.dma_semaphore, #tpu.memory_space<semaphore_mem>>) src(%dma_wait3A_55 : memref<80x128xi32, #tpu.memory_space<hbm>>) dst(%arg7 : memref<80x128xi32, #tpu.memory_space<vmem>>)
      tpu.yield
    }) : () -> ()
    %mul3A_9 = arith.constant 80 : i32
    %mul3A_10 = arith.muli %add3A, %mul3A_9 : i32
    "tpu.region"() ({
      %run_scoped3A = tpu.sem_alloc : memref<!tpu.dma_semaphore, #tpu.memory_space<semaphore_mem>>
      %dma_start3A_48 = arith.constant 0 : i32
      %dma_start3A_49 = tpu.memref_slice %arg3[%mul3A_10, %dma_start3A_48] : memref<2560x128xi32, #tpu.memory_space<hbm>> -> memref<80x128xi32, #tpu.memory_space<hbm>>
      %dma_start3A_50 = arith.constant 0 : i32
      %dma_start3A_51 = tpu.memref_slice %arg3[%mul3A_10, %dma_start3A_50] : memref<2560x128xi32, #tpu.memory_space<hbm>> -> memref<80x128xi32, #tpu.memory_space<hbm>>
      tpu.enqueue_dma source(%dma_start3A_51 : memref<80x128xi32, #tpu.memory_space<hbm>>) target(%arg8 : memref<80x128xi32, #tpu.memory_space<vmem>>) target_semaphore(%run_scoped3A : memref<!tpu.dma_semaphore, #tpu.memory_space<semaphore_mem>>)
      %dma_wait3A_52 = arith.constant 0 : i32
      %dma_wait3A_53 = tpu.memref_slice %arg3[%mul3A_10, %dma_wait3A_52] : memref<2560x128xi32, #tpu.memory_space<hbm>> -> memref<80x128xi32, #tpu.memory_space<hbm>>
      %dma_wait3A_54 = arith.constant 0 : i32
      %dma_wait3A_55 = tpu.memref_slice %arg3[%mul3A_10, %dma_wait3A_54] : memref<2560x128xi32, #tpu.memory_space<hbm>> -> memref<80x128xi32, #tpu.memory_space<hbm>>
      tpu.wait_dma2 semaphore(%run_scoped3A : memref<!tpu.dma_semaphore, #tpu.memory_space<semaphore_mem>>) src(%dma_wait3A_55 : memref<80x128xi32, #tpu.memory_space<hbm>>) dst(%arg8 : memref<80x128xi32, #tpu.memory_space<vmem>>)
      tpu.yield
    }) : () -> ()
    %barrier3A = arith.constant 0 : index
    tpu.barrier barrier_id(%barrier3A)
    %dma_start3A = arith.constant 0 : i32
    %dma_start3A_11 = arith.constant 0 : i32
    %dma_start3A_12 = tpu.memref_slice %arg7[%dma_start3A, %dma_start3A_11] : memref<80x128xi32, #tpu.memory_space<vmem>> -> memref<1x128xi32, #tpu.memory_space<vmem>>
    %dma_start3A_13 = tpu.memref_squeeze %dma_start3A_12 : memref<1x128xi32, #tpu.memory_space<vmem>> -> memref<128xi32, #tpu.memory_space<vmem>>
    %dma_start3A_14 = arith.constant 0 : i32
    %dma_start3A_15 = arith.constant 0 : i32
    %dma_start3A_16 = tpu.memref_slice %arg23[%dma_start3A_14, %dma_start3A_15] : memref<10240x16xf32, #tpu.memory_space<vmem_shared>> -> memref<10240x16xf32, #tpu.memory_space<vmem_shared>>
    tpu.enqueue_indirect_dma source(%dma_start3A_16 : memref<10240x16xf32, #tpu.memory_space<vmem_shared>>) target(%arg10 : memref<128x16xf32, #tpu.memory_space<vmem>>) offsets(%dma_start3A_13 : memref<128xi32, #tpu.memory_space<vmem>>) semaphore(%arg14 : memref<!tpu.dma_semaphore, #tpu.memory_space<semaphore_mem>>)
    %dma_start3A_17 = arith.constant 1 : i32
    %dma_start3A_18 = arith.constant 0 : i32
    %dma_start3A_19 = tpu.memref_slice %arg7[%dma_start3A_17, %dma_start3A_18] : memref<80x128xi32, #tpu.memory_space<vmem>> -> memref<1x128xi32, #tpu.memory_space<vmem>>
    %dma_start3A_20 = tpu.memref_squeeze %dma_start3A_19 : memref<1x128xi32, #tpu.memory_space<vmem>> -> memref<128xi32, #tpu.memory_space<vmem>>
    %dma_start3A_21 = arith.constant 0 : i32
    %dma_start3A_22 = arith.constant 0 : i32
    %dma_start3A_23 = tpu.memref_slice %arg23[%dma_start3A_21, %dma_start3A_22] : memref<10240x16xf32, #tpu.memory_space<vmem_shared>> -> memref<10240x16xf32, #tpu.memory_space<vmem_shared>>
    tpu.enqueue_indirect_dma source(%dma_start3A_23 : memref<10240x16xf32, #tpu.memory_space<vmem_shared>>) target(%arg11 : memref<128x16xf32, #tpu.memory_space<vmem>>) offsets(%dma_start3A_20 : memref<128xi32, #tpu.memory_space<vmem>>) semaphore(%arg15 : memref<!tpu.dma_semaphore, #tpu.memory_space<semaphore_mem>>)
    %scan3A = arith.constant 0 : i32
    %scan3A_24 = arith.constant 20 : i32
    %scan3A_25 = arith.addi %scan3A, %scan3A_24 : i32
    %scan3A_26 = arith.constant 1 : i32
    scf.for %scan3A_48 = %scan3A to %scan3A_25 step %scan3A_26  : i32 {
      %mul3A_49 = arith.constant 4 : i32
      %mul3A_50 = arith.muli %scan3A_48, %mul3A_49 : i32
      %add3A_51 = arith.constant 0 : i32
      %add3A_52 = arith.addi %add3A_51, %mul3A_50 : i32
      %add3A_53 = arith.constant 0 : i32
      %add3A_54 = arith.addi %add3A_52, %add3A_53 : i32
      %dma_wait3A_55 = arith.constant 0 : i32
      %dma_wait3A_56 = tpu.memref_slice %arg7[%add3A_54, %dma_wait3A_55] : memref<80x128xi32, #tpu.memory_space<vmem>> -> memref<1x128xi32, #tpu.memory_space<vmem>>
      %dma_wait3A_57 = tpu.memref_squeeze %dma_wait3A_56 : memref<1x128xi32, #tpu.memory_space<vmem>> -> memref<128xi32, #tpu.memory_space<vmem>>
      %dma_wait3A_58 = arith.constant 0 : i32
      %dma_wait3A_59 = arith.constant 0 : i32
      %dma_wait3A_60 = tpu.memref_slice %arg23[%dma_wait3A_58, %dma_wait3A_59] : memref<10240x16xf32, #tpu.memory_space<vmem_shared>> -> memref<10240x16xf32, #tpu.memory_space<vmem_shared>>
      tpu.wait_indirect_dma semaphore(%arg14 : memref<!tpu.dma_semaphore, #tpu.memory_space<semaphore_mem>>) src(%dma_wait3A_60 : memref<10240x16xf32, #tpu.memory_space<vmem_shared>>) dst(%arg10 : memref<128x16xf32, #tpu.memory_space<vmem>>)
      %dma_start3A_61 = arith.constant 0 : i32
      %dma_start3A_62 = tpu.memref_slice %arg8[%add3A_54, %dma_start3A_61] : memref<80x128xi32, #tpu.memory_space<vmem>> -> memref<1x128xi32, #tpu.memory_space<vmem>>
      %dma_start3A_63 = tpu.memref_squeeze %dma_start3A_62 : memref<1x128xi32, #tpu.memory_space<vmem>> -> memref<128xi32, #tpu.memory_space<vmem>>
      %dma_start3A_64 = arith.constant 0 : i32
      %dma_start3A_65 = arith.constant 0 : i32
      %dma_start3A_66 = tpu.memref_slice %arg22[%dma_start3A_64, %dma_start3A_65] : memref<10240x16xf32, #tpu.memory_space<vmem_shared>> -> memref<10240x16xf32, #tpu.memory_space<vmem_shared>>
      tpu.enqueue_indirect_dma source(%arg10 : memref<128x16xf32, #tpu.memory_space<vmem>>) target(%dma_start3A_66 : memref<10240x16xf32, #tpu.memory_space<vmem_shared>>) offsets(%dma_start3A_63 : memref<128xi32, #tpu.memory_space<vmem>>) semaphore(%arg18 : memref<!tpu.dma_semaphore, #tpu.memory_space<semaphore_mem>>) {add = true}
      %add3A_67 = arith.constant 2 : i32
      %add3A_68 = arith.addi %add3A_54, %add3A_67 : i32
      %lt3A = arith.constant 80 : i32
      %lt3A_69 = arith.cmpi slt, %add3A_68, %lt3A : i32
      %convert_element_type3A_70 = arith.extui %lt3A_69 : i1 to i32
      %cond3A_71 = arith.constant 0 : i32
      %cond3A_72 = arith.cmpi ne, %convert_element_type3A_70, %cond3A_71 : i32
      scf.if %cond3A_72 {
        %ge3A = arith.constant 2 : i32
        %ge3A_136 = arith.cmpi sge, %add3A_54, %ge3A : i32
        %convert_element_type3A_137 = arith.extui %ge3A_136 : i1 to i32
        %cond3A_138 = arith.constant 0 : i32
        %cond3A_139 = arith.cmpi ne, %convert_element_type3A_137, %cond3A_138 : i32
        scf.if %cond3A_139 {
          %sub3A = arith.constant 2 : i32
          %sub3A_146 = arith.subi %add3A_54, %sub3A : i32
          %dma_wait3A_147 = arith.constant 0 : i32
          %dma_wait3A_148 = tpu.memref_slice %arg8[%sub3A_146, %dma_wait3A_147] : memref<80x128xi32, #tpu.memory_space<vmem>> -> memref<1x128xi32, #tpu.memory_space<vmem>>
          %dma_wait3A_149 = tpu.memref_squeeze %dma_wait3A_148 : memref<1x128xi32, #tpu.memory_space<vmem>> -> memref<128xi32, #tpu.memory_space<vmem>>
          %dma_wait3A_150 = arith.constant 0 : i32
          %dma_wait3A_151 = arith.constant 0 : i32
          %dma_wait3A_152 = tpu.memref_slice %arg22[%dma_wait3A_150, %dma_wait3A_151] : memref<10240x16xf32, #tpu.memory_space<vmem_shared>> -> memref<10240x16xf32, #tpu.memory_space<vmem_shared>>
          tpu.wait_indirect_dma semaphore(%arg20 : memref<!tpu.dma_semaphore, #tpu.memory_space<semaphore_mem>>) src(%arg12 : memref<128x16xf32, #tpu.memory_space<vmem>>) dst(%dma_wait3A_152 : memref<10240x16xf32, #tpu.memory_space<vmem_shared>>)
        } else {
        }
        %dma_start3A_140 = arith.constant 0 : i32
        %dma_start3A_141 = tpu.memref_slice %arg7[%add3A_68, %dma_start3A_140] : memref<80x128xi32, #tpu.memory_space<vmem>> -> memref<1x128xi32, #tpu.memory_space<vmem>>
        %dma_start3A_142 = tpu.memref_squeeze %dma_start3A_141 : memref<1x128xi32, #tpu.memory_space<vmem>> -> memref<128xi32, #tpu.memory_space<vmem>>
        %dma_start3A_143 = arith.constant 0 : i32
        %dma_start3A_144 = arith.constant 0 : i32
        %dma_start3A_145 = tpu.memref_slice %arg23[%dma_start3A_143, %dma_start3A_144] : memref<10240x16xf32, #tpu.memory_space<vmem_shared>> -> memref<10240x16xf32, #tpu.memory_space<vmem_shared>>
        tpu.enqueue_indirect_dma source(%dma_start3A_145 : memref<10240x16xf32, #tpu.memory_space<vmem_shared>>) target(%arg12 : memref<128x16xf32, #tpu.memory_space<vmem>>) offsets(%dma_start3A_142 : memref<128xi32, #tpu.memory_space<vmem>>) semaphore(%arg16 : memref<!tpu.dma_semaphore, #tpu.memory_space<semaphore_mem>>)
      } else {
      }
      %add3A_73 = arith.constant 1 : i32
      %add3A_74 = arith.addi %add3A_52, %add3A_73 : i32
      %dma_wait3A_75 = arith.constant 0 : i32
      %dma_wait3A_76 = tpu.memref_slice %arg7[%add3A_74, %dma_wait3A_75] : memref<80x128xi32, #tpu.memory_space<vmem>> -> memref<1x128xi32, #tpu.memory_space<vmem>>
      %dma_wait3A_77 = tpu.memref_squeeze %dma_wait3A_76 : memref<1x128xi32, #tpu.memory_space<vmem>> -> memref<128xi32, #tpu.memory_space<vmem>>
      %dma_wait3A_78 = arith.constant 0 : i32
      %dma_wait3A_79 = arith.constant 0 : i32
      %dma_wait3A_80 = tpu.memref_slice %arg23[%dma_wait3A_78, %dma_wait3A_79] : memref<10240x16xf32, #tpu.memory_space<vmem_shared>> -> memref<10240x16xf32, #tpu.memory_space<vmem_shared>>
      tpu.wait_indirect_dma semaphore(%arg15 : memref<!tpu.dma_semaphore, #tpu.memory_space<semaphore_mem>>) src(%dma_wait3A_80 : memref<10240x16xf32, #tpu.memory_space<vmem_shared>>) dst(%arg11 : memref<128x16xf32, #tpu.memory_space<vmem>>)
      %dma_start3A_81 = arith.constant 0 : i32
      %dma_start3A_82 = tpu.memref_slice %arg8[%add3A_74, %dma_start3A_81] : memref<80x128xi32, #tpu.memory_space<vmem>> -> memref<1x128xi32, #tpu.memory_space<vmem>>
      %dma_start3A_83 = tpu.memref_squeeze %dma_start3A_82 : memref<1x128xi32, #tpu.memory_space<vmem>> -> memref<128xi32, #tpu.memory_space<vmem>>
      %dma_start3A_84 = arith.constant 0 : i32
      %dma_start3A_85 = arith.constant 0 : i32
      %dma_start3A_86 = tpu.memref_slice %arg22[%dma_start3A_84, %dma_start3A_85] : memref<10240x16xf32, #tpu.memory_space<vmem_shared>> -> memref<10240x16xf32, #tpu.memory_space<vmem_shared>>
      tpu.enqueue_indirect_dma source(%arg11 : memref<128x16xf32, #tpu.memory_space<vmem>>) target(%dma_start3A_86 : memref<10240x16xf32, #tpu.memory_space<vmem_shared>>) offsets(%dma_start3A_83 : memref<128xi32, #tpu.memory_space<vmem>>) semaphore(%arg19 : memref<!tpu.dma_semaphore, #tpu.memory_space<semaphore_mem>>) {add = true}
      %add3A_87 = arith.constant 2 : i32
      %add3A_88 = arith.addi %add3A_74, %add3A_87 : i32
      %lt3A_89 = arith.constant 80 : i32
      %lt3A_90 = arith.cmpi slt, %add3A_88, %lt3A_89 : i32
      %convert_element_type3A_91 = arith.extui %lt3A_90 : i1 to i32
      %cond3A_92 = arith.constant 0 : i32
      %cond3A_93 = arith.cmpi ne, %convert_element_type3A_91, %cond3A_92 : i32
      scf.if %cond3A_93 {
        %ge3A = arith.constant 2 : i32
        %ge3A_136 = arith.cmpi sge, %add3A_74, %ge3A : i32
        %convert_element_type3A_137 = arith.extui %ge3A_136 : i1 to i32
        %cond3A_138 = arith.constant 0 : i32
        %cond3A_139 = arith.cmpi ne, %convert_element_type3A_137, %cond3A_138 : i32
        scf.if %cond3A_139 {
          %sub3A = arith.constant 2 : i32
          %sub3A_146 = arith.subi %add3A_74, %sub3A : i32
          %dma_wait3A_147 = arith.constant 0 : i32
          %dma_wait3A_148 = tpu.memref_slice %arg8[%sub3A_146, %dma_wait3A_147] : memref<80x128xi32, #tpu.memory_space<vmem>> -> memref<1x128xi32, #tpu.memory_space<vmem>>
          %dma_wait3A_149 = tpu.memref_squeeze %dma_wait3A_148 : memref<1x128xi32, #tpu.memory_space<vmem>> -> memref<128xi32, #tpu.memory_space<vmem>>
          %dma_wait3A_150 = arith.constant 0 : i32
          %dma_wait3A_151 = arith.constant 0 : i32
          %dma_wait3A_152 = tpu.memref_slice %arg22[%dma_wait3A_150, %dma_wait3A_151] : memref<10240x16xf32, #tpu.memory_space<vmem_shared>> -> memref<10240x16xf32, #tpu.memory_space<vmem_shared>>
          tpu.wait_indirect_dma semaphore(%arg21 : memref<!tpu.dma_semaphore, #tpu.memory_space<semaphore_mem>>) src(%arg13 : memref<128x16xf32, #tpu.memory_space<vmem>>) dst(%dma_wait3A_152 : memref<10240x16xf32, #tpu.memory_space<vmem_shared>>)
        } else {
        }
        %dma_start3A_140 = arith.constant 0 : i32
        %dma_start3A_141 = tpu.memref_slice %arg7[%add3A_88, %dma_start3A_140] : memref<80x128xi32, #tpu.memory_space<vmem>> -> memref<1x128xi32, #tpu.memory_space<vmem>>
        %dma_start3A_142 = tpu.memref_squeeze %dma_start3A_141 : memref<1x128xi32, #tpu.memory_space<vmem>> -> memref<128xi32, #tpu.memory_space<vmem>>
        %dma_start3A_143 = arith.constant 0 : i32
        %dma_start3A_144 = arith.constant 0 : i32
        %dma_start3A_145 = tpu.memref_slice %arg23[%dma_start3A_143, %dma_start3A_144] : memref<10240x16xf32, #tpu.memory_space<vmem_shared>> -> memref<10240x16xf32, #tpu.memory_space<vmem_shared>>
        tpu.enqueue_indirect_dma source(%dma_start3A_145 : memref<10240x16xf32, #tpu.memory_space<vmem_shared>>) target(%arg13 : memref<128x16xf32, #tpu.memory_space<vmem>>) offsets(%dma_start3A_142 : memref<128xi32, #tpu.memory_space<vmem>>) semaphore(%arg17 : memref<!tpu.dma_semaphore, #tpu.memory_space<semaphore_mem>>)
      } else {
      }
      %add3A_94 = arith.constant 2 : i32
      %add3A_95 = arith.addi %add3A_52, %add3A_94 : i32
      %dma_wait3A_96 = arith.constant 0 : i32
      %dma_wait3A_97 = tpu.memref_slice %arg7[%add3A_95, %dma_wait3A_96] : memref<80x128xi32, #tpu.memory_space<vmem>> -> memref<1x128xi32, #tpu.memory_space<vmem>>
      %dma_wait3A_98 = tpu.memref_squeeze %dma_wait3A_97 : memref<1x128xi32, #tpu.memory_space<vmem>> -> memref<128xi32, #tpu.memory_space<vmem>>
      %dma_wait3A_99 = arith.constant 0 : i32
      %dma_wait3A_100 = arith.constant 0 : i32
      %dma_wait3A_101 = tpu.memref_slice %arg23[%dma_wait3A_99, %dma_wait3A_100] : memref<10240x16xf32, #tpu.memory_space<vmem_shared>> -> memref<10240x16xf32, #tpu.memory_space<vmem_shared>>
      tpu.wait_indirect_dma semaphore(%arg16 : memref<!tpu.dma_semaphore, #tpu.memory_space<semaphore_mem>>) src(%dma_wait3A_101 : memref<10240x16xf32, #tpu.memory_space<vmem_shared>>) dst(%arg12 : memref<128x16xf32, #tpu.memory_space<vmem>>)
      %dma_start3A_102 = arith.constant 0 : i32
      %dma_start3A_103 = tpu.memref_slice %arg8[%add3A_95, %dma_start3A_102] : memref<80x128xi32, #tpu.memory_space<vmem>> -> memref<1x128xi32, #tpu.memory_space<vmem>>
      %dma_start3A_104 = tpu.memref_squeeze %dma_start3A_103 : memref<1x128xi32, #tpu.memory_space<vmem>> -> memref<128xi32, #tpu.memory_space<vmem>>
      %dma_start3A_105 = arith.constant 0 : i32
      %dma_start3A_106 = arith.constant 0 : i32
      %dma_start3A_107 = tpu.memref_slice %arg22[%dma_start3A_105, %dma_start3A_106] : memref<10240x16xf32, #tpu.memory_space<vmem_shared>> -> memref<10240x16xf32, #tpu.memory_space<vmem_shared>>
      tpu.enqueue_indirect_dma source(%arg12 : memref<128x16xf32, #tpu.memory_space<vmem>>) target(%dma_start3A_107 : memref<10240x16xf32, #tpu.memory_space<vmem_shared>>) offsets(%dma_start3A_104 : memref<128xi32, #tpu.memory_space<vmem>>) semaphore(%arg20 : memref<!tpu.dma_semaphore, #tpu.memory_space<semaphore_mem>>) {add = true}
      %add3A_108 = arith.constant 2 : i32
      %add3A_109 = arith.addi %add3A_95, %add3A_108 : i32
      %lt3A_110 = arith.constant 80 : i32
      %lt3A_111 = arith.cmpi slt, %add3A_109, %lt3A_110 : i32
      %convert_element_type3A_112 = arith.extui %lt3A_111 : i1 to i32
      %cond3A_113 = arith.constant 0 : i32
      %cond3A_114 = arith.cmpi ne, %convert_element_type3A_112, %cond3A_113 : i32
      scf.if %cond3A_114 {
        %ge3A = arith.constant 2 : i32
        %ge3A_136 = arith.cmpi sge, %add3A_95, %ge3A : i32
        %convert_element_type3A_137 = arith.extui %ge3A_136 : i1 to i32
        %cond3A_138 = arith.constant 0 : i32
        %cond3A_139 = arith.cmpi ne, %convert_element_type3A_137, %cond3A_138 : i32
        scf.if %cond3A_139 {
          %sub3A = arith.constant 2 : i32
          %sub3A_146 = arith.subi %add3A_95, %sub3A : i32
          %dma_wait3A_147 = arith.constant 0 : i32
          %dma_wait3A_148 = tpu.memref_slice %arg8[%sub3A_146, %dma_wait3A_147] : memref<80x128xi32, #tpu.memory_space<vmem>> -> memref<1x128xi32, #tpu.memory_space<vmem>>
          %dma_wait3A_149 = tpu.memref_squeeze %dma_wait3A_148 : memref<1x128xi32, #tpu.memory_space<vmem>> -> memref<128xi32, #tpu.memory_space<vmem>>
          %dma_wait3A_150 = arith.constant 0 : i32
          %dma_wait3A_151 = arith.constant 0 : i32
          %dma_wait3A_152 = tpu.memref_slice %arg22[%dma_wait3A_150, %dma_wait3A_151] : memref<10240x16xf32, #tpu.memory_space<vmem_shared>> -> memref<10240x16xf32, #tpu.memory_space<vmem_shared>>
          tpu.wait_indirect_dma semaphore(%arg18 : memref<!tpu.dma_semaphore, #tpu.memory_space<semaphore_mem>>) src(%arg10 : memref<128x16xf32, #tpu.memory_space<vmem>>) dst(%dma_wait3A_152 : memref<10240x16xf32, #tpu.memory_space<vmem_shared>>)
        } else {
        }
        %dma_start3A_140 = arith.constant 0 : i32
        %dma_start3A_141 = tpu.memref_slice %arg7[%add3A_109, %dma_start3A_140] : memref<80x128xi32, #tpu.memory_space<vmem>> -> memref<1x128xi32, #tpu.memory_space<vmem>>
        %dma_start3A_142 = tpu.memref_squeeze %dma_start3A_141 : memref<1x128xi32, #tpu.memory_space<vmem>> -> memref<128xi32, #tpu.memory_space<vmem>>
        %dma_start3A_143 = arith.constant 0 : i32
        %dma_start3A_144 = arith.constant 0 : i32
        %dma_start3A_145 = tpu.memref_slice %arg23[%dma_start3A_143, %dma_start3A_144] : memref<10240x16xf32, #tpu.memory_space<vmem_shared>> -> memref<10240x16xf32, #tpu.memory_space<vmem_shared>>
        tpu.enqueue_indirect_dma source(%dma_start3A_145 : memref<10240x16xf32, #tpu.memory_space<vmem_shared>>) target(%arg10 : memref<128x16xf32, #tpu.memory_space<vmem>>) offsets(%dma_start3A_142 : memref<128xi32, #tpu.memory_space<vmem>>) semaphore(%arg14 : memref<!tpu.dma_semaphore, #tpu.memory_space<semaphore_mem>>)
      } else {
      }
      %add3A_115 = arith.constant 3 : i32
      %add3A_116 = arith.addi %add3A_52, %add3A_115 : i32
      %dma_wait3A_117 = arith.constant 0 : i32
      %dma_wait3A_118 = tpu.memref_slice %arg7[%add3A_116, %dma_wait3A_117] : memref<80x128xi32, #tpu.memory_space<vmem>> -> memref<1x128xi32, #tpu.memory_space<vmem>>
      %dma_wait3A_119 = tpu.memref_squeeze %dma_wait3A_118 : memref<1x128xi32, #tpu.memory_space<vmem>> -> memref<128xi32, #tpu.memory_space<vmem>>
      %dma_wait3A_120 = arith.constant 0 : i32
      %dma_wait3A_121 = arith.constant 0 : i32
      %dma_wait3A_122 = tpu.memref_slice %arg23[%dma_wait3A_120, %dma_wait3A_121] : memref<10240x16xf32, #tpu.memory_space<vmem_shared>> -> memref<10240x16xf32, #tpu.memory_space<vmem_shared>>
      tpu.wait_indirect_dma semaphore(%arg17 : memref<!tpu.dma_semaphore, #tpu.memory_space<semaphore_mem>>) src(%dma_wait3A_122 : memref<10240x16xf32, #tpu.memory_space<vmem_shared>>) dst(%arg13 : memref<128x16xf32, #tpu.memory_space<vmem>>)
      %dma_start3A_123 = arith.constant 0 : i32
      %dma_start3A_124 = tpu.memref_slice %arg8[%add3A_116, %dma_start3A_123] : memref<80x128xi32, #tpu.memory_space<vmem>> -> memref<1x128xi32, #tpu.memory_space<vmem>>
      %dma_start3A_125 = tpu.memref_squeeze %dma_start3A_124 : memref<1x128xi32, #tpu.memory_space<vmem>> -> memref<128xi32, #tpu.memory_space<vmem>>
      %dma_start3A_126 = arith.constant 0 : i32
      %dma_start3A_127 = arith.constant 0 : i32
      %dma_start3A_128 = tpu.memref_slice %arg22[%dma_start3A_126, %dma_start3A_127] : memref<10240x16xf32, #tpu.memory_space<vmem_shared>> -> memref<10240x16xf32, #tpu.memory_space<vmem_shared>>
      tpu.enqueue_indirect_dma source(%arg13 : memref<128x16xf32, #tpu.memory_space<vmem>>) target(%dma_start3A_128 : memref<10240x16xf32, #tpu.memory_space<vmem_shared>>) offsets(%dma_start3A_125 : memref<128xi32, #tpu.memory_space<vmem>>) semaphore(%arg21 : memref<!tpu.dma_semaphore, #tpu.memory_space<semaphore_mem>>) {add = true}
      %add3A_129 = arith.constant 2 : i32
      %add3A_130 = arith.addi %add3A_116, %add3A_129 : i32
      %lt3A_131 = arith.constant 80 : i32
      %lt3A_132 = arith.cmpi slt, %add3A_130, %lt3A_131 : i32
      %convert_element_type3A_133 = arith.extui %lt3A_132 : i1 to i32
      %cond3A_134 = arith.constant 0 : i32
      %cond3A_135 = arith.cmpi ne, %convert_element_type3A_133, %cond3A_134 : i32
      scf.if %cond3A_135 {
        %ge3A = arith.constant 2 : i32
        %ge3A_136 = arith.cmpi sge, %add3A_116, %ge3A : i32
        %convert_element_type3A_137 = arith.extui %ge3A_136 : i1 to i32
        %cond3A_138 = arith.constant 0 : i32
        %cond3A_139 = arith.cmpi ne, %convert_element_type3A_137, %cond3A_138 : i32
        scf.if %cond3A_139 {
          %sub3A = arith.constant 2 : i32
          %sub3A_146 = arith.subi %add3A_116, %sub3A : i32
          %dma_wait3A_147 = arith.constant 0 : i32
          %dma_wait3A_148 = tpu.memref_slice %arg8[%sub3A_146, %dma_wait3A_147] : memref<80x128xi32, #tpu.memory_space<vmem>> -> memref<1x128xi32, #tpu.memory_space<vmem>>
          %dma_wait3A_149 = tpu.memref_squeeze %dma_wait3A_148 : memref<1x128xi32, #tpu.memory_space<vmem>> -> memref<128xi32, #tpu.memory_space<vmem>>
          %dma_wait3A_150 = arith.constant 0 : i32
          %dma_wait3A_151 = arith.constant 0 : i32
          %dma_wait3A_152 = tpu.memref_slice %arg22[%dma_wait3A_150, %dma_wait3A_151] : memref<10240x16xf32, #tpu.memory_space<vmem_shared>> -> memref<10240x16xf32, #tpu.memory_space<vmem_shared>>
          tpu.wait_indirect_dma semaphore(%arg19 : memref<!tpu.dma_semaphore, #tpu.memory_space<semaphore_mem>>) src(%arg11 : memref<128x16xf32, #tpu.memory_space<vmem>>) dst(%dma_wait3A_152 : memref<10240x16xf32, #tpu.memory_space<vmem_shared>>)
        } else {
        }
        %dma_start3A_140 = arith.constant 0 : i32
        %dma_start3A_141 = tpu.memref_slice %arg7[%add3A_130, %dma_start3A_140] : memref<80x128xi32, #tpu.memory_space<vmem>> -> memref<1x128xi32, #tpu.memory_space<vmem>>
        %dma_start3A_142 = tpu.memref_squeeze %dma_start3A_141 : memref<1x128xi32, #tpu.memory_space<vmem>> -> memref<128xi32, #tpu.memory_space<vmem>>
        %dma_start3A_143 = arith.constant 0 : i32
        %dma_start3A_144 = arith.constant 0 : i32
        %dma_start3A_145 = tpu.memref_slice %arg23[%dma_start3A_143, %dma_start3A_144] : memref<10240x16xf32, #tpu.memory_space<vmem_shared>> -> memref<10240x16xf32, #tpu.memory_space<vmem_shared>>
        tpu.enqueue_indirect_dma source(%dma_start3A_145 : memref<10240x16xf32, #tpu.memory_space<vmem_shared>>) target(%arg11 : memref<128x16xf32, #tpu.memory_space<vmem>>) offsets(%dma_start3A_142 : memref<128xi32, #tpu.memory_space<vmem>>) semaphore(%arg15 : memref<!tpu.dma_semaphore, #tpu.memory_space<semaphore_mem>>)
      } else {
      }
    }
    %scan3A_27 = arith.constant 20 : i32
    %dma_wait3A = arith.constant 78 : i32
    %dma_wait3A_28 = arith.constant 0 : i32
    %dma_wait3A_29 = tpu.memref_slice %arg8[%dma_wait3A, %dma_wait3A_28] : memref<80x128xi32, #tpu.memory_space<vmem>> -> memref<1x128xi32, #tpu.memory_space<vmem>>
    %dma_wait3A_30 = tpu.memref_squeeze %dma_wait3A_29 : memref<1x128xi32, #tpu.memory_space<vmem>> -> memref<128xi32, #tpu.memory_space<vmem>>
    %dma_wait3A_31 = arith.constant 0 : i32
    %dma_wait3A_32 = arith.constant 0 : i32
    %dma_wait3A_33 = tpu.memref_slice %arg22[%dma_wait3A_31, %dma_wait3A_32] : memref<10240x16xf32, #tpu.memory_space<vmem_shared>> -> memref<10240x16xf32, #tpu.memory_space<vmem_shared>>
    tpu.wait_indirect_dma semaphore(%arg20 : memref<!tpu.dma_semaphore, #tpu.memory_space<semaphore_mem>>) src(%arg12 : memref<128x16xf32, #tpu.memory_space<vmem>>) dst(%dma_wait3A_33 : memref<10240x16xf32, #tpu.memory_space<vmem_shared>>)
    %dma_wait3A_34 = arith.constant 79 : i32
    %dma_wait3A_35 = arith.constant 0 : i32
    %dma_wait3A_36 = tpu.memref_slice %arg8[%dma_wait3A_34, %dma_wait3A_35] : memref<80x128xi32, #tpu.memory_space<vmem>> -> memref<1x128xi32, #tpu.memory_space<vmem>>
    %dma_wait3A_37 = tpu.memref_squeeze %dma_wait3A_36 : memref<1x128xi32, #tpu.memory_space<vmem>> -> memref<128xi32, #tpu.memory_space<vmem>>
    %dma_wait3A_38 = arith.constant 0 : i32
    %dma_wait3A_39 = arith.constant 0 : i32
    %dma_wait3A_40 = tpu.memref_slice %arg22[%dma_wait3A_38, %dma_wait3A_39] : memref<10240x16xf32, #tpu.memory_space<vmem_shared>> -> memref<10240x16xf32, #tpu.memory_space<vmem_shared>>
    tpu.wait_indirect_dma semaphore(%arg21 : memref<!tpu.dma_semaphore, #tpu.memory_space<semaphore_mem>>) src(%arg13 : memref<128x16xf32, #tpu.memory_space<vmem>>) dst(%dma_wait3A_40 : memref<10240x16xf32, #tpu.memory_space<vmem_shared>>)
    %eq3A = arith.constant 0 : i32
    %eq3A_41 = arith.cmpi eq, %arg0, %eq3A : i32
    %convert_element_type3A = arith.extui %eq3A_41 : i1 to i32
    %cond3A = arith.constant 0 : i32
    %cond3A_42 = arith.cmpi ne, %convert_element_type3A, %cond3A : i32
    scf.if %cond3A_42 {
      %scan3A_48 = arith.constant 0 : i32
      %scan3A_49 = arith.constant 5 : i32
      %scan3A_50 = arith.addi %scan3A_48, %scan3A_49 : i32
      %scan3A_51 = arith.constant 1 : i32
      scf.for %scan3A_53 = %scan3A_48 to %scan3A_50 step %scan3A_51  : i32 {
        %mul3A_54 = arith.constant 128 : i32
        %mul3A_55 = arith.muli %scan3A_53, %mul3A_54 : i32
        %add3A_56 = arith.constant 0 : i32
        %add3A_57 = arith.addi %add3A_56, %mul3A_55 : i32
        %mul3A_58 = arith.constant 640 : i32
        %mul3A_59 = arith.muli %arg1, %mul3A_58 : i32
        %add3A_60 = arith.addi %mul3A_59, %add3A_57 : i32
        %scan3A_61 = arith.constant 0 : i32
        %scan3A_62 = arith.constant 8 : i32
        %scan3A_63 = arith.addi %scan3A_61, %scan3A_62 : i32
        %scan3A_64 = arith.constant 1 : i32
        scf.for %scan3A_66 = %scan3A_61 to %scan3A_63 step %scan3A_64  : i32 {
          %mul3A_67 = arith.constant 16 : i32
          %mul3A_68 = arith.muli %scan3A_66, %mul3A_67 : i32
          %add3A_69 = arith.constant 0 : i32
          %add3A_70 = arith.addi %add3A_69, %mul3A_68 : i32
          %iota3A = tpu.iota {dimensions = array<i32: 0>} : vector<16xi32>
          %add3A_71 = vector.broadcast %add3A_60 : i32 to vector<16xi32>
          %add3A_72 = arith.addi %iota3A, %add3A_71 : vector<16xi32>
          %add3A_73 = vector.broadcast %add3A_70 : i32 to vector<16xi32>
          %add3A_74 = arith.addi %add3A_72, %add3A_73 : vector<16xi32>
          %swap3A = arith.index_cast %add3A_70 : i32 to index
          %swap3A_75 = tpu.vector_load %arg9[%swap3A] {strides = array<i32>} : memref<128xi32, #tpu.memory_space<vmem>>, vector<16xi32>,
          tpu.vector_store %arg9[%swap3A], %add3A_74 {strides = array<i32>} : memref<128xi32, #tpu.memory_space<vmem>>, vector<16xi32>,
        }
        %scan3A_65 = arith.constant 8 : i32
        "tpu.region"() ({
          %run_scoped3A = tpu.sem_alloc : memref<!tpu.dma_semaphore, #tpu.memory_space<semaphore_mem>>
          %dma_start3A_66 = arith.constant 0 : i32
          %dma_start3A_67 = tpu.memref_slice %arg23[%add3A_60, %dma_start3A_66] : memref<10240x16xf32, #tpu.memory_space<vmem_shared>> -> memref<128x16xf32, #tpu.memory_space<vmem_shared>>
          %dma_start3A_68 = arith.constant 0 : i32
          %dma_start3A_69 = tpu.memref_slice %arg23[%add3A_60, %dma_start3A_68] : memref<10240x16xf32, #tpu.memory_space<vmem_shared>> -> memref<128x16xf32, #tpu.memory_space<vmem_shared>>
          tpu.enqueue_dma source(%dma_start3A_69 : memref<128x16xf32, #tpu.memory_space<vmem_shared>>) target(%arg10 : memref<128x16xf32, #tpu.memory_space<vmem>>) target_semaphore(%run_scoped3A : memref<!tpu.dma_semaphore, #tpu.memory_space<semaphore_mem>>)
          %dma_wait3A_70 = arith.constant 0 : i32
          %dma_wait3A_71 = tpu.memref_slice %arg23[%add3A_60, %dma_wait3A_70] : memref<10240x16xf32, #tpu.memory_space<vmem_shared>> -> memref<128x16xf32, #tpu.memory_space<vmem_shared>>
          %dma_wait3A_72 = arith.constant 0 : i32
          %dma_wait3A_73 = tpu.memref_slice %arg23[%add3A_60, %dma_wait3A_72] : memref<10240x16xf32, #tpu.memory_space<vmem_shared>> -> memref<128x16xf32, #tpu.memory_space<vmem_shared>>
          tpu.wait_dma2 semaphore(%run_scoped3A : memref<!tpu.dma_semaphore, #tpu.memory_space<semaphore_mem>>) src(%dma_wait3A_73 : memref<128x16xf32, #tpu.memory_space<vmem_shared>>) dst(%arg10 : memref<128x16xf32, #tpu.memory_space<vmem>>)
          tpu.yield
        }) : () -> ()
        "tpu.region"() ({
          %run_scoped3A = tpu.sem_alloc : memref<!tpu.dma_semaphore, #tpu.memory_space<semaphore_mem>>
          %dma_start3A_66 = arith.constant 0 : i32
          %dma_start3A_67 = arith.constant 0 : i32
          %dma_start3A_68 = tpu.memref_slice %arg22[%dma_start3A_66, %dma_start3A_67] : memref<10240x16xf32, #tpu.memory_space<vmem_shared>> -> memref<10240x16xf32, #tpu.memory_space<vmem_shared>>
          tpu.enqueue_indirect_dma source(%arg10 : memref<128x16xf32, #tpu.memory_space<vmem>>) target(%dma_start3A_68 : memref<10240x16xf32, #tpu.memory_space<vmem_shared>>) offsets(%arg9 : memref<128xi32, #tpu.memory_space<vmem>>) semaphore(%run_scoped3A : memref<!tpu.dma_semaphore, #tpu.memory_space<semaphore_mem>>) {add = true}
          %dma_wait3A_69 = arith.constant 0 : i32
          %dma_wait3A_70 = arith.constant 0 : i32
          %dma_wait3A_71 = tpu.memref_slice %arg22[%dma_wait3A_69, %dma_wait3A_70] : memref<10240x16xf32, #tpu.memory_space<vmem_shared>> -> memref<10240x16xf32, #tpu.memory_space<vmem_shared>>
          tpu.wait_indirect_dma semaphore(%run_scoped3A : memref<!tpu.dma_semaphore, #tpu.memory_space<semaphore_mem>>) src(%arg10 : memref<128x16xf32, #tpu.memory_space<vmem>>) dst(%dma_wait3A_71 : memref<10240x16xf32, #tpu.memory_space<vmem_shared>>)
          tpu.yield
        }) : () -> ()
      }
      %scan3A_52 = arith.constant 5 : i32
    } else {
    }
    %barrier3A_43 = arith.constant 0 : index
    tpu.barrier barrier_id(%barrier3A_43)
    %mul3A_44 = arith.constant 640 : i32
    %mul3A_45 = arith.muli %arg1, %mul3A_44 : i32
    %mul3A_46 = arith.constant 640 : i32
    %mul3A_47 = arith.muli %arg1, %mul3A_46 : i32
    "tpu.region"() ({
      %run_scoped3A = tpu.sem_alloc : memref<!tpu.dma_semaphore, #tpu.memory_space<semaphore_mem>>
      %dma_start3A_48 = arith.constant 0 : i32
      %dma_start3A_49 = arith.constant 0 : i32
      %dma_start3A_50 = tpu.memref_slice %arg6[%arg0, %dma_start3A_48, %dma_start3A_49] : memref<2x10240x16xf32, #tpu.memory_space<hbm>> -> memref<1x10240x16xf32, #tpu.memory_space<hbm>>
      %dma_start3A_51 = tpu.memref_squeeze %dma_start3A_50 : memref<1x10240x16xf32, #tpu.memory_space<hbm>> -> memref<10240x16xf32, #tpu.memory_space<hbm>>
      %dma_start3A_52 = arith.constant 0 : i32
      %dma_start3A_53 = tpu.memref_slice %dma_start3A_51[%mul3A_47, %dma_start3A_52] : memref<10240x16xf32, #tpu.memory_space<hbm>> -> memref<640x16xf32, #tpu.memory_space<hbm>>
      %dma_start3A_54 = arith.constant 0 : i32
      %dma_start3A_55 = tpu.memref_slice %arg22[%mul3A_45, %dma_start3A_54] : memref<10240x16xf32, #tpu.memory_space<vmem_shared>> -> memref<640x16xf32, #tpu.memory_space<vmem_shared>>
      tpu.enqueue_dma source(%dma_start3A_55 : memref<640x16xf32, #tpu.memory_space<vmem_shared>>) target(%dma_start3A_53 : memref<640x16xf32, #tpu.memory_space<hbm>>) target_semaphore(%run_scoped3A : memref<!tpu.dma_semaphore, #tpu.memory_space<semaphore_mem>>)
      %dma_wait3A_56 = arith.constant 0 : i32
      %dma_wait3A_57 = arith.constant 0 : i32
      %dma_wait3A_58 = tpu.memref_slice %arg6[%arg0, %dma_wait3A_56, %dma_wait3A_57] : memref<2x10240x16xf32, #tpu.memory_space<hbm>> -> memref<1x10240x16xf32, #tpu.memory_space<hbm>>
      %dma_wait3A_59 = tpu.memref_squeeze %dma_wait3A_58 : memref<1x10240x16xf32, #tpu.memory_space<hbm>> -> memref<10240x16xf32, #tpu.memory_space<hbm>>
      %dma_wait3A_60 = arith.constant 0 : i32
      %dma_wait3A_61 = tpu.memref_slice %dma_wait3A_59[%mul3A_47, %dma_wait3A_60] : memref<10240x16xf32, #tpu.memory_space<hbm>> -> memref<640x16xf32, #tpu.memory_space<hbm>>
      %dma_wait3A_62 = arith.constant 0 : i32
      %dma_wait3A_63 = tpu.memref_slice %arg22[%mul3A_45, %dma_wait3A_62] : memref<10240x16xf32, #tpu.memory_space<vmem_shared>> -> memref<640x16xf32, #tpu.memory_space<vmem_shared>>
      tpu.wait_dma2 semaphore(%run_scoped3A : memref<!tpu.dma_semaphore, #tpu.memory_space<semaphore_mem>>) src(%dma_wait3A_63 : memref<640x16xf32, #tpu.memory_space<vmem_shared>>) dst(%dma_wait3A_61 : memref<640x16xf32, #tpu.memory_space<hbm>>)
      tpu.yield
    }) : () -> ()
    return
  }
}

#map = affine_map<(d0, d1) -> (0, 0)>
#map1 = affine_map<(d0, d1) -> (0, 0, 0)>
module attributes {stable_mosaic.version = 14 : i64} {
  func.func @_sc_agg16(%arg0: i32, %arg1: i32, %arg2: memref<2560x128xi32, #tpu.memory_space<hbm>>, %arg3: memref<2560x128xi32, #tpu.memory_space<hbm>>, %arg4: memref<10240x16xf32, #tpu.memory_space<hbm>>, %arg5: memref<640x16xf32, #tpu.memory_space<hbm>>, %arg6: memref<2x10240x16xf32, #tpu.memory_space<hbm>>, %arg7: memref<80x128xi32, #tpu.memory_space<vmem>>, %arg8: memref<80x128xi32, #tpu.memory_space<vmem>>, %arg9: memref<128xi32, #tpu.memory_space<vmem>>, %arg10: memref<128x16xf32, #tpu.memory_space<vmem>>, %arg11: memref<128x16xf32, #tpu.memory_space<vmem>>, %arg12: memref<128x16xf32, #tpu.memory_space<vmem>>, %arg13: memref<128x16xf32, #tpu.memory_space<vmem>>, %arg14: memref<!tpu.dma_semaphore, #tpu.memory_space<semaphore_mem>>, %arg15: memref<!tpu.dma_semaphore, #tpu.memory_space<semaphore_mem>>, %arg16: memref<!tpu.dma_semaphore, #tpu.memory_space<semaphore_mem>>, %arg17: memref<!tpu.dma_semaphore, #tpu.memory_space<semaphore_mem>>, %arg18: memref<!tpu.dma_semaphore, #tpu.memory_space<semaphore_mem>>, %arg19: memref<!tpu.dma_semaphore, #tpu.memory_space<semaphore_mem>>, %arg20: memref<!tpu.dma_semaphore, #tpu.memory_space<semaphore_mem>>, %arg21: memref<!tpu.dma_semaphore, #tpu.memory_space<semaphore_mem>>, %arg22: memref<10240x16xf32, #tpu.memory_space<vmem_shared>>, %arg23: memref<10240x16xf32, #tpu.memory_space<vmem_shared>>) attributes {dimension_semantics = [#tpu.dimension_semantics<core_parallel>, #tpu.dimension_semantics<subcore_parallel>], iteration_bounds = array<i64: 2, 16>, scalar_prefetch = 0 : i64, scratch_operands = 17 : i64, tpu.core_type = #tpu.core_type<sc_vector_subcore>, window_params = [{transform_indices = #map}, {transform_indices = #map}, {transform_indices = #map}, {transform_indices = #map}, {transform_indices = #map1}]} {
    %mul3A = arith.constant 2 : i32
    %mul3A_0 = arith.muli %arg1, %mul3A : i32
    %add3A = arith.addi %mul3A_0, %arg0 : i32
    %mul3A_1 = arith.constant 640 : i32
    %mul3A_2 = arith.muli %arg1, %mul3A_1 : i32
    "tpu.region"() ({
      %run_scoped3A = tpu.sem_alloc : memref<!tpu.dma_semaphore, #tpu.memory_space<semaphore_mem>>
      %dma_start3A_48 = arith.constant 0 : i32
      %dma_start3A_49 = tpu.memref_slice %arg22[%mul3A_2, %dma_start3A_48] : memref<10240x16xf32, #tpu.memory_space<vmem_shared>> -> memref<640x16xf32, #tpu.memory_space<vmem_shared>>
      tpu.enqueue_dma source(%arg5 : memref<640x16xf32, #tpu.memory_space<hbm>>) target(%dma_start3A_49 : memref<640x16xf32, #tpu.memory_space<vmem_shared>>) target_semaphore(%run_scoped3A : memref<!tpu.dma_semaphore, #tpu.memory_space<semaphore_mem>>)
      %dma_wait3A_50 = arith.constant 0 : i32
      %dma_wait3A_51 = tpu.memref_slice %arg22[%mul3A_2, %dma_wait3A_50] : memref<10240x16xf32, #tpu.memory_space<vmem_shared>> -> memref<640x16xf32, #tpu.memory_space<vmem_shared>>
      tpu.wait_dma2 semaphore(%run_scoped3A : memref<!tpu.dma_semaphore, #tpu.memory_space<semaphore_mem>>) src(%arg5 : memref<640x16xf32, #tpu.memory_space<hbm>>) dst(%dma_wait3A_51 : memref<640x16xf32, #tpu.memory_space<vmem_shared>>)
      tpu.yield
    }) : () -> ()
    %mul3A_3 = arith.constant 640 : i32
    %mul3A_4 = arith.muli %arg1, %mul3A_3 : i32
    %mul3A_5 = arith.constant 640 : i32
    %mul3A_6 = arith.muli %arg1, %mul3A_5 : i32
    "tpu.region"() ({
      %run_scoped3A = tpu.sem_alloc : memref<!tpu.dma_semaphore, #tpu.memory_space<semaphore_mem>>
      %dma_start3A_48 = arith.constant 0 : i32
      %dma_start3A_49 = tpu.memref_slice %arg23[%mul3A_6, %dma_start3A_48] : memref<10240x16xf32, #tpu.memory_space<vmem_shared>> -> memref<640x16xf32, #tpu.memory_space<vmem_shared>>
      %dma_start3A_50 = arith.constant 0 : i32
      %dma_start3A_51 = tpu.memref_slice %arg4[%mul3A_4, %dma_start3A_50] : memref<10240x16xf32, #tpu.memory_space<hbm>> -> memref<640x16xf32, #tpu.memory_space<hbm>>
      tpu.enqueue_dma source(%dma_start3A_51 : memref<640x16xf32, #tpu.memory_space<hbm>>) target(%dma_start3A_49 : memref<640x16xf32, #tpu.memory_space<vmem_shared>>) target_semaphore(%run_scoped3A : memref<!tpu.dma_semaphore, #tpu.memory_space<semaphore_mem>>)
      %dma_wait3A_52 = arith.constant 0 : i32
      %dma_wait3A_53 = tpu.memref_slice %arg23[%mul3A_6, %dma_wait3A_52] : memref<10240x16xf32, #tpu.memory_space<vmem_shared>> -> memref<640x16xf32, #tpu.memory_space<vmem_shared>>
      %dma_wait3A_54 = arith.constant 0 : i32
      %dma_wait3A_55 = tpu.memref_slice %arg4[%mul3A_4, %dma_wait3A_54] : memref<10240x16xf32, #tpu.memory_space<hbm>> -> memref<640x16xf32, #tpu.memory_space<hbm>>
      tpu.wait_dma2 semaphore(%run_scoped3A : memref<!tpu.dma_semaphore, #tpu.memory_space<semaphore_mem>>) src(%dma_wait3A_55 : memref<640x16xf32, #tpu.memory_space<hbm>>) dst(%dma_wait3A_53 : memref<640x16xf32, #tpu.memory_space<vmem_shared>>)
      tpu.yield
    }) : () -> ()
    %mul3A_7 = arith.constant 80 : i32
    %mul3A_8 = arith.muli %add3A, %mul3A_7 : i32
    "tpu.region"() ({
      %run_scoped3A = tpu.sem_alloc : memref<!tpu.dma_semaphore, #tpu.memory_space<semaphore_mem>>
      %dma_start3A_48 = arith.constant 0 : i32
      %dma_start3A_49 = tpu.memref_slice %arg2[%mul3A_8, %dma_start3A_48] : memref<2560x128xi32, #tpu.memory_space<hbm>> -> memref<80x128xi32, #tpu.memory_space<hbm>>
      %dma_start3A_50 = arith.constant 0 : i32
      %dma_start3A_51 = tpu.memref_slice %arg2[%mul3A_8, %dma_start3A_50] : memref<2560x128xi32, #tpu.memory_space<hbm>> -> memref<80x128xi32, #tpu.memory_space<hbm>>
      tpu.enqueue_dma source(%dma_start3A_51 : memref<80x128xi32, #tpu.memory_space<hbm>>) target(%arg7 : memref<80x128xi32, #tpu.memory_space<vmem>>) target_semaphore(%run_scoped3A : memref<!tpu.dma_semaphore, #tpu.memory_space<semaphore_mem>>)
      %dma_wait3A_52 = arith.constant 0 : i32
      %dma_wait3A_53 = tpu.memref_slice %arg2[%mul3A_8, %dma_wait3A_52] : memref<2560x128xi32, #tpu.memory_space<hbm>> -> memref<80x128xi32, #tpu.memory_space<hbm>>
      %dma_wait3A_54 = arith.constant 0 : i32
      %dma_wait3A_55 = tpu.memref_slice %arg2[%mul3A_8, %dma_wait3A_54] : memref<2560x128xi32, #tpu.memory_space<hbm>> -> memref<80x128xi32, #tpu.memory_space<hbm>>
      tpu.wait_dma2 semaphore(%run_scoped3A : memref<!tpu.dma_semaphore, #tpu.memory_space<semaphore_mem>>) src(%dma_wait3A_55 : memref<80x128xi32, #tpu.memory_space<hbm>>) dst(%arg7 : memref<80x128xi32, #tpu.memory_space<vmem>>)
      tpu.yield
    }) : () -> ()
    %mul3A_9 = arith.constant 80 : i32
    %mul3A_10 = arith.muli %add3A, %mul3A_9 : i32
    "tpu.region"() ({
      %run_scoped3A = tpu.sem_alloc : memref<!tpu.dma_semaphore, #tpu.memory_space<semaphore_mem>>
      %dma_start3A_48 = arith.constant 0 : i32
      %dma_start3A_49 = tpu.memref_slice %arg3[%mul3A_10, %dma_start3A_48] : memref<2560x128xi32, #tpu.memory_space<hbm>> -> memref<80x128xi32, #tpu.memory_space<hbm>>
      %dma_start3A_50 = arith.constant 0 : i32
      %dma_start3A_51 = tpu.memref_slice %arg3[%mul3A_10, %dma_start3A_50] : memref<2560x128xi32, #tpu.memory_space<hbm>> -> memref<80x128xi32, #tpu.memory_space<hbm>>
      tpu.enqueue_dma source(%dma_start3A_51 : memref<80x128xi32, #tpu.memory_space<hbm>>) target(%arg8 : memref<80x128xi32, #tpu.memory_space<vmem>>) target_semaphore(%run_scoped3A : memref<!tpu.dma_semaphore, #tpu.memory_space<semaphore_mem>>)
      %dma_wait3A_52 = arith.constant 0 : i32
      %dma_wait3A_53 = tpu.memref_slice %arg3[%mul3A_10, %dma_wait3A_52] : memref<2560x128xi32, #tpu.memory_space<hbm>> -> memref<80x128xi32, #tpu.memory_space<hbm>>
      %dma_wait3A_54 = arith.constant 0 : i32
      %dma_wait3A_55 = tpu.memref_slice %arg3[%mul3A_10, %dma_wait3A_54] : memref<2560x128xi32, #tpu.memory_space<hbm>> -> memref<80x128xi32, #tpu.memory_space<hbm>>
      tpu.wait_dma2 semaphore(%run_scoped3A : memref<!tpu.dma_semaphore, #tpu.memory_space<semaphore_mem>>) src(%dma_wait3A_55 : memref<80x128xi32, #tpu.memory_space<hbm>>) dst(%arg8 : memref<80x128xi32, #tpu.memory_space<vmem>>)
      tpu.yield
    }) : () -> ()
    %barrier3A = arith.constant 0 : index
    tpu.barrier barrier_id(%barrier3A)
    %dma_start3A = arith.constant 0 : i32
    %dma_start3A_11 = arith.constant 0 : i32
    %dma_start3A_12 = tpu.memref_slice %arg7[%dma_start3A, %dma_start3A_11] : memref<80x128xi32, #tpu.memory_space<vmem>> -> memref<1x128xi32, #tpu.memory_space<vmem>>
    %dma_start3A_13 = tpu.memref_squeeze %dma_start3A_12 : memref<1x128xi32, #tpu.memory_space<vmem>> -> memref<128xi32, #tpu.memory_space<vmem>>
    %dma_start3A_14 = arith.constant 0 : i32
    %dma_start3A_15 = arith.constant 0 : i32
    %dma_start3A_16 = tpu.memref_slice %arg23[%dma_start3A_14, %dma_start3A_15] : memref<10240x16xf32, #tpu.memory_space<vmem_shared>> -> memref<10240x16xf32, #tpu.memory_space<vmem_shared>>
    tpu.enqueue_indirect_dma source(%dma_start3A_16 : memref<10240x16xf32, #tpu.memory_space<vmem_shared>>) target(%arg10 : memref<128x16xf32, #tpu.memory_space<vmem>>) offsets(%dma_start3A_13 : memref<128xi32, #tpu.memory_space<vmem>>) semaphore(%arg14 : memref<!tpu.dma_semaphore, #tpu.memory_space<semaphore_mem>>)
    %dma_start3A_17 = arith.constant 1 : i32
    %dma_start3A_18 = arith.constant 0 : i32
    %dma_start3A_19 = tpu.memref_slice %arg7[%dma_start3A_17, %dma_start3A_18] : memref<80x128xi32, #tpu.memory_space<vmem>> -> memref<1x128xi32, #tpu.memory_space<vmem>>
    %dma_start3A_20 = tpu.memref_squeeze %dma_start3A_19 : memref<1x128xi32, #tpu.memory_space<vmem>> -> memref<128xi32, #tpu.memory_space<vmem>>
    %dma_start3A_21 = arith.constant 0 : i32
    %dma_start3A_22 = arith.constant 0 : i32
    %dma_start3A_23 = tpu.memref_slice %arg23[%dma_start3A_21, %dma_start3A_22] : memref<10240x16xf32, #tpu.memory_space<vmem_shared>> -> memref<10240x16xf32, #tpu.memory_space<vmem_shared>>
    tpu.enqueue_indirect_dma source(%dma_start3A_23 : memref<10240x16xf32, #tpu.memory_space<vmem_shared>>) target(%arg11 : memref<128x16xf32, #tpu.memory_space<vmem>>) offsets(%dma_start3A_20 : memref<128xi32, #tpu.memory_space<vmem>>) semaphore(%arg15 : memref<!tpu.dma_semaphore, #tpu.memory_space<semaphore_mem>>)
    %scan3A = arith.constant 0 : i32
    %scan3A_24 = arith.constant 20 : i32
    %scan3A_25 = arith.addi %scan3A, %scan3A_24 : i32
    %scan3A_26 = arith.constant 1 : i32
    scf.for %scan3A_48 = %scan3A to %scan3A_25 step %scan3A_26  : i32 {
      %mul3A_49 = arith.constant 4 : i32
      %mul3A_50 = arith.muli %scan3A_48, %mul3A_49 : i32
      %add3A_51 = arith.constant 0 : i32
      %add3A_52 = arith.addi %add3A_51, %mul3A_50 : i32
      %add3A_53 = arith.constant 0 : i32
      %add3A_54 = arith.addi %add3A_52, %add3A_53 : i32
      %dma_wait3A_55 = arith.constant 0 : i32
      %dma_wait3A_56 = tpu.memref_slice %arg7[%add3A_54, %dma_wait3A_55] : memref<80x128xi32, #tpu.memory_space<vmem>> -> memref<1x128xi32, #tpu.memory_space<vmem>>
      %dma_wait3A_57 = tpu.memref_squeeze %dma_wait3A_56 : memref<1x128xi32, #tpu.memory_space<vmem>> -> memref<128xi32, #tpu.memory_space<vmem>>
      %dma_wait3A_58 = arith.constant 0 : i32
      %dma_wait3A_59 = arith.constant 0 : i32
      %dma_wait3A_60 = tpu.memref_slice %arg23[%dma_wait3A_58, %dma_wait3A_59] : memref<10240x16xf32, #tpu.memory_space<vmem_shared>> -> memref<10240x16xf32, #tpu.memory_space<vmem_shared>>
      tpu.wait_indirect_dma semaphore(%arg14 : memref<!tpu.dma_semaphore, #tpu.memory_space<semaphore_mem>>) src(%dma_wait3A_60 : memref<10240x16xf32, #tpu.memory_space<vmem_shared>>) dst(%arg10 : memref<128x16xf32, #tpu.memory_space<vmem>>)
      %dma_start3A_61 = arith.constant 0 : i32
      %dma_start3A_62 = tpu.memref_slice %arg8[%add3A_54, %dma_start3A_61] : memref<80x128xi32, #tpu.memory_space<vmem>> -> memref<1x128xi32, #tpu.memory_space<vmem>>
      %dma_start3A_63 = tpu.memref_squeeze %dma_start3A_62 : memref<1x128xi32, #tpu.memory_space<vmem>> -> memref<128xi32, #tpu.memory_space<vmem>>
      %dma_start3A_64 = arith.constant 0 : i32
      %dma_start3A_65 = arith.constant 0 : i32
      %dma_start3A_66 = tpu.memref_slice %arg22[%dma_start3A_64, %dma_start3A_65] : memref<10240x16xf32, #tpu.memory_space<vmem_shared>> -> memref<10240x16xf32, #tpu.memory_space<vmem_shared>>
      tpu.enqueue_indirect_dma source(%arg10 : memref<128x16xf32, #tpu.memory_space<vmem>>) target(%dma_start3A_66 : memref<10240x16xf32, #tpu.memory_space<vmem_shared>>) offsets(%dma_start3A_63 : memref<128xi32, #tpu.memory_space<vmem>>) semaphore(%arg18 : memref<!tpu.dma_semaphore, #tpu.memory_space<semaphore_mem>>) {add = true}
      %add3A_67 = arith.constant 2 : i32
      %add3A_68 = arith.addi %add3A_54, %add3A_67 : i32
      %lt3A = arith.constant 80 : i32
      %lt3A_69 = arith.cmpi slt, %add3A_68, %lt3A : i32
      %convert_element_type3A_70 = arith.extui %lt3A_69 : i1 to i32
      %cond3A_71 = arith.constant 0 : i32
      %cond3A_72 = arith.cmpi ne, %convert_element_type3A_70, %cond3A_71 : i32
      scf.if %cond3A_72 {
        %ge3A = arith.constant 2 : i32
        %ge3A_136 = arith.cmpi sge, %add3A_54, %ge3A : i32
        %convert_element_type3A_137 = arith.extui %ge3A_136 : i1 to i32
        %cond3A_138 = arith.constant 0 : i32
        %cond3A_139 = arith.cmpi ne, %convert_element_type3A_137, %cond3A_138 : i32
        scf.if %cond3A_139 {
          %sub3A = arith.constant 2 : i32
          %sub3A_146 = arith.subi %add3A_54, %sub3A : i32
          %dma_wait3A_147 = arith.constant 0 : i32
          %dma_wait3A_148 = tpu.memref_slice %arg8[%sub3A_146, %dma_wait3A_147] : memref<80x128xi32, #tpu.memory_space<vmem>> -> memref<1x128xi32, #tpu.memory_space<vmem>>
          %dma_wait3A_149 = tpu.memref_squeeze %dma_wait3A_148 : memref<1x128xi32, #tpu.memory_space<vmem>> -> memref<128xi32, #tpu.memory_space<vmem>>
          %dma_wait3A_150 = arith.constant 0 : i32
          %dma_wait3A_151 = arith.constant 0 : i32
          %dma_wait3A_152 = tpu.memref_slice %arg22[%dma_wait3A_150, %dma_wait3A_151] : memref<10240x16xf32, #tpu.memory_space<vmem_shared>> -> memref<10240x16xf32, #tpu.memory_space<vmem_shared>>
          tpu.wait_indirect_dma semaphore(%arg20 : memref<!tpu.dma_semaphore, #tpu.memory_space<semaphore_mem>>) src(%arg12 : memref<128x16xf32, #tpu.memory_space<vmem>>) dst(%dma_wait3A_152 : memref<10240x16xf32, #tpu.memory_space<vmem_shared>>)
        } else {
        }
        %dma_start3A_140 = arith.constant 0 : i32
        %dma_start3A_141 = tpu.memref_slice %arg7[%add3A_68, %dma_start3A_140] : memref<80x128xi32, #tpu.memory_space<vmem>> -> memref<1x128xi32, #tpu.memory_space<vmem>>
        %dma_start3A_142 = tpu.memref_squeeze %dma_start3A_141 : memref<1x128xi32, #tpu.memory_space<vmem>> -> memref<128xi32, #tpu.memory_space<vmem>>
        %dma_start3A_143 = arith.constant 0 : i32
        %dma_start3A_144 = arith.constant 0 : i32
        %dma_start3A_145 = tpu.memref_slice %arg23[%dma_start3A_143, %dma_start3A_144] : memref<10240x16xf32, #tpu.memory_space<vmem_shared>> -> memref<10240x16xf32, #tpu.memory_space<vmem_shared>>
        tpu.enqueue_indirect_dma source(%dma_start3A_145 : memref<10240x16xf32, #tpu.memory_space<vmem_shared>>) target(%arg12 : memref<128x16xf32, #tpu.memory_space<vmem>>) offsets(%dma_start3A_142 : memref<128xi32, #tpu.memory_space<vmem>>) semaphore(%arg16 : memref<!tpu.dma_semaphore, #tpu.memory_space<semaphore_mem>>)
      } else {
      }
      %add3A_73 = arith.constant 1 : i32
      %add3A_74 = arith.addi %add3A_52, %add3A_73 : i32
      %dma_wait3A_75 = arith.constant 0 : i32
      %dma_wait3A_76 = tpu.memref_slice %arg7[%add3A_74, %dma_wait3A_75] : memref<80x128xi32, #tpu.memory_space<vmem>> -> memref<1x128xi32, #tpu.memory_space<vmem>>
      %dma_wait3A_77 = tpu.memref_squeeze %dma_wait3A_76 : memref<1x128xi32, #tpu.memory_space<vmem>> -> memref<128xi32, #tpu.memory_space<vmem>>
      %dma_wait3A_78 = arith.constant 0 : i32
      %dma_wait3A_79 = arith.constant 0 : i32
      %dma_wait3A_80 = tpu.memref_slice %arg23[%dma_wait3A_78, %dma_wait3A_79] : memref<10240x16xf32, #tpu.memory_space<vmem_shared>> -> memref<10240x16xf32, #tpu.memory_space<vmem_shared>>
      tpu.wait_indirect_dma semaphore(%arg15 : memref<!tpu.dma_semaphore, #tpu.memory_space<semaphore_mem>>) src(%dma_wait3A_80 : memref<10240x16xf32, #tpu.memory_space<vmem_shared>>) dst(%arg11 : memref<128x16xf32, #tpu.memory_space<vmem>>)
      %dma_start3A_81 = arith.constant 0 : i32
      %dma_start3A_82 = tpu.memref_slice %arg8[%add3A_74, %dma_start3A_81] : memref<80x128xi32, #tpu.memory_space<vmem>> -> memref<1x128xi32, #tpu.memory_space<vmem>>
      %dma_start3A_83 = tpu.memref_squeeze %dma_start3A_82 : memref<1x128xi32, #tpu.memory_space<vmem>> -> memref<128xi32, #tpu.memory_space<vmem>>
      %dma_start3A_84 = arith.constant 0 : i32
      %dma_start3A_85 = arith.constant 0 : i32
      %dma_start3A_86 = tpu.memref_slice %arg22[%dma_start3A_84, %dma_start3A_85] : memref<10240x16xf32, #tpu.memory_space<vmem_shared>> -> memref<10240x16xf32, #tpu.memory_space<vmem_shared>>
      tpu.enqueue_indirect_dma source(%arg11 : memref<128x16xf32, #tpu.memory_space<vmem>>) target(%dma_start3A_86 : memref<10240x16xf32, #tpu.memory_space<vmem_shared>>) offsets(%dma_start3A_83 : memref<128xi32, #tpu.memory_space<vmem>>) semaphore(%arg19 : memref<!tpu.dma_semaphore, #tpu.memory_space<semaphore_mem>>) {add = true}
      %add3A_87 = arith.constant 2 : i32
      %add3A_88 = arith.addi %add3A_74, %add3A_87 : i32
      %lt3A_89 = arith.constant 80 : i32
      %lt3A_90 = arith.cmpi slt, %add3A_88, %lt3A_89 : i32
      %convert_element_type3A_91 = arith.extui %lt3A_90 : i1 to i32
      %cond3A_92 = arith.constant 0 : i32
      %cond3A_93 = arith.cmpi ne, %convert_element_type3A_91, %cond3A_92 : i32
      scf.if %cond3A_93 {
        %ge3A = arith.constant 2 : i32
        %ge3A_136 = arith.cmpi sge, %add3A_74, %ge3A : i32
        %convert_element_type3A_137 = arith.extui %ge3A_136 : i1 to i32
        %cond3A_138 = arith.constant 0 : i32
        %cond3A_139 = arith.cmpi ne, %convert_element_type3A_137, %cond3A_138 : i32
        scf.if %cond3A_139 {
          %sub3A = arith.constant 2 : i32
          %sub3A_146 = arith.subi %add3A_74, %sub3A : i32
          %dma_wait3A_147 = arith.constant 0 : i32
          %dma_wait3A_148 = tpu.memref_slice %arg8[%sub3A_146, %dma_wait3A_147] : memref<80x128xi32, #tpu.memory_space<vmem>> -> memref<1x128xi32, #tpu.memory_space<vmem>>
          %dma_wait3A_149 = tpu.memref_squeeze %dma_wait3A_148 : memref<1x128xi32, #tpu.memory_space<vmem>> -> memref<128xi32, #tpu.memory_space<vmem>>
          %dma_wait3A_150 = arith.constant 0 : i32
          %dma_wait3A_151 = arith.constant 0 : i32
          %dma_wait3A_152 = tpu.memref_slice %arg22[%dma_wait3A_150, %dma_wait3A_151] : memref<10240x16xf32, #tpu.memory_space<vmem_shared>> -> memref<10240x16xf32, #tpu.memory_space<vmem_shared>>
          tpu.wait_indirect_dma semaphore(%arg21 : memref<!tpu.dma_semaphore, #tpu.memory_space<semaphore_mem>>) src(%arg13 : memref<128x16xf32, #tpu.memory_space<vmem>>) dst(%dma_wait3A_152 : memref<10240x16xf32, #tpu.memory_space<vmem_shared>>)
        } else {
        }
        %dma_start3A_140 = arith.constant 0 : i32
        %dma_start3A_141 = tpu.memref_slice %arg7[%add3A_88, %dma_start3A_140] : memref<80x128xi32, #tpu.memory_space<vmem>> -> memref<1x128xi32, #tpu.memory_space<vmem>>
        %dma_start3A_142 = tpu.memref_squeeze %dma_start3A_141 : memref<1x128xi32, #tpu.memory_space<vmem>> -> memref<128xi32, #tpu.memory_space<vmem>>
        %dma_start3A_143 = arith.constant 0 : i32
        %dma_start3A_144 = arith.constant 0 : i32
        %dma_start3A_145 = tpu.memref_slice %arg23[%dma_start3A_143, %dma_start3A_144] : memref<10240x16xf32, #tpu.memory_space<vmem_shared>> -> memref<10240x16xf32, #tpu.memory_space<vmem_shared>>
        tpu.enqueue_indirect_dma source(%dma_start3A_145 : memref<10240x16xf32, #tpu.memory_space<vmem_shared>>) target(%arg13 : memref<128x16xf32, #tpu.memory_space<vmem>>) offsets(%dma_start3A_142 : memref<128xi32, #tpu.memory_space<vmem>>) semaphore(%arg17 : memref<!tpu.dma_semaphore, #tpu.memory_space<semaphore_mem>>)
      } else {
      }
      %add3A_94 = arith.constant 2 : i32
      %add3A_95 = arith.addi %add3A_52, %add3A_94 : i32
      %dma_wait3A_96 = arith.constant 0 : i32
      %dma_wait3A_97 = tpu.memref_slice %arg7[%add3A_95, %dma_wait3A_96] : memref<80x128xi32, #tpu.memory_space<vmem>> -> memref<1x128xi32, #tpu.memory_space<vmem>>
      %dma_wait3A_98 = tpu.memref_squeeze %dma_wait3A_97 : memref<1x128xi32, #tpu.memory_space<vmem>> -> memref<128xi32, #tpu.memory_space<vmem>>
      %dma_wait3A_99 = arith.constant 0 : i32
      %dma_wait3A_100 = arith.constant 0 : i32
      %dma_wait3A_101 = tpu.memref_slice %arg23[%dma_wait3A_99, %dma_wait3A_100] : memref<10240x16xf32, #tpu.memory_space<vmem_shared>> -> memref<10240x16xf32, #tpu.memory_space<vmem_shared>>
      tpu.wait_indirect_dma semaphore(%arg16 : memref<!tpu.dma_semaphore, #tpu.memory_space<semaphore_mem>>) src(%dma_wait3A_101 : memref<10240x16xf32, #tpu.memory_space<vmem_shared>>) dst(%arg12 : memref<128x16xf32, #tpu.memory_space<vmem>>)
      %dma_start3A_102 = arith.constant 0 : i32
      %dma_start3A_103 = tpu.memref_slice %arg8[%add3A_95, %dma_start3A_102] : memref<80x128xi32, #tpu.memory_space<vmem>> -> memref<1x128xi32, #tpu.memory_space<vmem>>
      %dma_start3A_104 = tpu.memref_squeeze %dma_start3A_103 : memref<1x128xi32, #tpu.memory_space<vmem>> -> memref<128xi32, #tpu.memory_space<vmem>>
      %dma_start3A_105 = arith.constant 0 : i32
      %dma_start3A_106 = arith.constant 0 : i32
      %dma_start3A_107 = tpu.memref_slice %arg22[%dma_start3A_105, %dma_start3A_106] : memref<10240x16xf32, #tpu.memory_space<vmem_shared>> -> memref<10240x16xf32, #tpu.memory_space<vmem_shared>>
      tpu.enqueue_indirect_dma source(%arg12 : memref<128x16xf32, #tpu.memory_space<vmem>>) target(%dma_start3A_107 : memref<10240x16xf32, #tpu.memory_space<vmem_shared>>) offsets(%dma_start3A_104 : memref<128xi32, #tpu.memory_space<vmem>>) semaphore(%arg20 : memref<!tpu.dma_semaphore, #tpu.memory_space<semaphore_mem>>) {add = true}
      %add3A_108 = arith.constant 2 : i32
      %add3A_109 = arith.addi %add3A_95, %add3A_108 : i32
      %lt3A_110 = arith.constant 80 : i32
      %lt3A_111 = arith.cmpi slt, %add3A_109, %lt3A_110 : i32
      %convert_element_type3A_112 = arith.extui %lt3A_111 : i1 to i32
      %cond3A_113 = arith.constant 0 : i32
      %cond3A_114 = arith.cmpi ne, %convert_element_type3A_112, %cond3A_113 : i32
      scf.if %cond3A_114 {
        %ge3A = arith.constant 2 : i32
        %ge3A_136 = arith.cmpi sge, %add3A_95, %ge3A : i32
        %convert_element_type3A_137 = arith.extui %ge3A_136 : i1 to i32
        %cond3A_138 = arith.constant 0 : i32
        %cond3A_139 = arith.cmpi ne, %convert_element_type3A_137, %cond3A_138 : i32
        scf.if %cond3A_139 {
          %sub3A = arith.constant 2 : i32
          %sub3A_146 = arith.subi %add3A_95, %sub3A : i32
          %dma_wait3A_147 = arith.constant 0 : i32
          %dma_wait3A_148 = tpu.memref_slice %arg8[%sub3A_146, %dma_wait3A_147] : memref<80x128xi32, #tpu.memory_space<vmem>> -> memref<1x128xi32, #tpu.memory_space<vmem>>
          %dma_wait3A_149 = tpu.memref_squeeze %dma_wait3A_148 : memref<1x128xi32, #tpu.memory_space<vmem>> -> memref<128xi32, #tpu.memory_space<vmem>>
          %dma_wait3A_150 = arith.constant 0 : i32
          %dma_wait3A_151 = arith.constant 0 : i32
          %dma_wait3A_152 = tpu.memref_slice %arg22[%dma_wait3A_150, %dma_wait3A_151] : memref<10240x16xf32, #tpu.memory_space<vmem_shared>> -> memref<10240x16xf32, #tpu.memory_space<vmem_shared>>
          tpu.wait_indirect_dma semaphore(%arg18 : memref<!tpu.dma_semaphore, #tpu.memory_space<semaphore_mem>>) src(%arg10 : memref<128x16xf32, #tpu.memory_space<vmem>>) dst(%dma_wait3A_152 : memref<10240x16xf32, #tpu.memory_space<vmem_shared>>)
        } else {
        }
        %dma_start3A_140 = arith.constant 0 : i32
        %dma_start3A_141 = tpu.memref_slice %arg7[%add3A_109, %dma_start3A_140] : memref<80x128xi32, #tpu.memory_space<vmem>> -> memref<1x128xi32, #tpu.memory_space<vmem>>
        %dma_start3A_142 = tpu.memref_squeeze %dma_start3A_141 : memref<1x128xi32, #tpu.memory_space<vmem>> -> memref<128xi32, #tpu.memory_space<vmem>>
        %dma_start3A_143 = arith.constant 0 : i32
        %dma_start3A_144 = arith.constant 0 : i32
        %dma_start3A_145 = tpu.memref_slice %arg23[%dma_start3A_143, %dma_start3A_144] : memref<10240x16xf32, #tpu.memory_space<vmem_shared>> -> memref<10240x16xf32, #tpu.memory_space<vmem_shared>>
        tpu.enqueue_indirect_dma source(%dma_start3A_145 : memref<10240x16xf32, #tpu.memory_space<vmem_shared>>) target(%arg10 : memref<128x16xf32, #tpu.memory_space<vmem>>) offsets(%dma_start3A_142 : memref<128xi32, #tpu.memory_space<vmem>>) semaphore(%arg14 : memref<!tpu.dma_semaphore, #tpu.memory_space<semaphore_mem>>)
      } else {
      }
      %add3A_115 = arith.constant 3 : i32
      %add3A_116 = arith.addi %add3A_52, %add3A_115 : i32
      %dma_wait3A_117 = arith.constant 0 : i32
      %dma_wait3A_118 = tpu.memref_slice %arg7[%add3A_116, %dma_wait3A_117] : memref<80x128xi32, #tpu.memory_space<vmem>> -> memref<1x128xi32, #tpu.memory_space<vmem>>
      %dma_wait3A_119 = tpu.memref_squeeze %dma_wait3A_118 : memref<1x128xi32, #tpu.memory_space<vmem>> -> memref<128xi32, #tpu.memory_space<vmem>>
      %dma_wait3A_120 = arith.constant 0 : i32
      %dma_wait3A_121 = arith.constant 0 : i32
      %dma_wait3A_122 = tpu.memref_slice %arg23[%dma_wait3A_120, %dma_wait3A_121] : memref<10240x16xf32, #tpu.memory_space<vmem_shared>> -> memref<10240x16xf32, #tpu.memory_space<vmem_shared>>
      tpu.wait_indirect_dma semaphore(%arg17 : memref<!tpu.dma_semaphore, #tpu.memory_space<semaphore_mem>>) src(%dma_wait3A_122 : memref<10240x16xf32, #tpu.memory_space<vmem_shared>>) dst(%arg13 : memref<128x16xf32, #tpu.memory_space<vmem>>)
      %dma_start3A_123 = arith.constant 0 : i32
      %dma_start3A_124 = tpu.memref_slice %arg8[%add3A_116, %dma_start3A_123] : memref<80x128xi32, #tpu.memory_space<vmem>> -> memref<1x128xi32, #tpu.memory_space<vmem>>
      %dma_start3A_125 = tpu.memref_squeeze %dma_start3A_124 : memref<1x128xi32, #tpu.memory_space<vmem>> -> memref<128xi32, #tpu.memory_space<vmem>>
      %dma_start3A_126 = arith.constant 0 : i32
      %dma_start3A_127 = arith.constant 0 : i32
      %dma_start3A_128 = tpu.memref_slice %arg22[%dma_start3A_126, %dma_start3A_127] : memref<10240x16xf32, #tpu.memory_space<vmem_shared>> -> memref<10240x16xf32, #tpu.memory_space<vmem_shared>>
      tpu.enqueue_indirect_dma source(%arg13 : memref<128x16xf32, #tpu.memory_space<vmem>>) target(%dma_start3A_128 : memref<10240x16xf32, #tpu.memory_space<vmem_shared>>) offsets(%dma_start3A_125 : memref<128xi32, #tpu.memory_space<vmem>>) semaphore(%arg21 : memref<!tpu.dma_semaphore, #tpu.memory_space<semaphore_mem>>) {add = true}
      %add3A_129 = arith.constant 2 : i32
      %add3A_130 = arith.addi %add3A_116, %add3A_129 : i32
      %lt3A_131 = arith.constant 80 : i32
      %lt3A_132 = arith.cmpi slt, %add3A_130, %lt3A_131 : i32
      %convert_element_type3A_133 = arith.extui %lt3A_132 : i1 to i32
      %cond3A_134 = arith.constant 0 : i32
      %cond3A_135 = arith.cmpi ne, %convert_element_type3A_133, %cond3A_134 : i32
      scf.if %cond3A_135 {
        %ge3A = arith.constant 2 : i32
        %ge3A_136 = arith.cmpi sge, %add3A_116, %ge3A : i32
        %convert_element_type3A_137 = arith.extui %ge3A_136 : i1 to i32
        %cond3A_138 = arith.constant 0 : i32
        %cond3A_139 = arith.cmpi ne, %convert_element_type3A_137, %cond3A_138 : i32
        scf.if %cond3A_139 {
          %sub3A = arith.constant 2 : i32
          %sub3A_146 = arith.subi %add3A_116, %sub3A : i32
          %dma_wait3A_147 = arith.constant 0 : i32
          %dma_wait3A_148 = tpu.memref_slice %arg8[%sub3A_146, %dma_wait3A_147] : memref<80x128xi32, #tpu.memory_space<vmem>> -> memref<1x128xi32, #tpu.memory_space<vmem>>
          %dma_wait3A_149 = tpu.memref_squeeze %dma_wait3A_148 : memref<1x128xi32, #tpu.memory_space<vmem>> -> memref<128xi32, #tpu.memory_space<vmem>>
          %dma_wait3A_150 = arith.constant 0 : i32
          %dma_wait3A_151 = arith.constant 0 : i32
          %dma_wait3A_152 = tpu.memref_slice %arg22[%dma_wait3A_150, %dma_wait3A_151] : memref<10240x16xf32, #tpu.memory_space<vmem_shared>> -> memref<10240x16xf32, #tpu.memory_space<vmem_shared>>
          tpu.wait_indirect_dma semaphore(%arg19 : memref<!tpu.dma_semaphore, #tpu.memory_space<semaphore_mem>>) src(%arg11 : memref<128x16xf32, #tpu.memory_space<vmem>>) dst(%dma_wait3A_152 : memref<10240x16xf32, #tpu.memory_space<vmem_shared>>)
        } else {
        }
        %dma_start3A_140 = arith.constant 0 : i32
        %dma_start3A_141 = tpu.memref_slice %arg7[%add3A_130, %dma_start3A_140] : memref<80x128xi32, #tpu.memory_space<vmem>> -> memref<1x128xi32, #tpu.memory_space<vmem>>
        %dma_start3A_142 = tpu.memref_squeeze %dma_start3A_141 : memref<1x128xi32, #tpu.memory_space<vmem>> -> memref<128xi32, #tpu.memory_space<vmem>>
        %dma_start3A_143 = arith.constant 0 : i32
        %dma_start3A_144 = arith.constant 0 : i32
        %dma_start3A_145 = tpu.memref_slice %arg23[%dma_start3A_143, %dma_start3A_144] : memref<10240x16xf32, #tpu.memory_space<vmem_shared>> -> memref<10240x16xf32, #tpu.memory_space<vmem_shared>>
        tpu.enqueue_indirect_dma source(%dma_start3A_145 : memref<10240x16xf32, #tpu.memory_space<vmem_shared>>) target(%arg11 : memref<128x16xf32, #tpu.memory_space<vmem>>) offsets(%dma_start3A_142 : memref<128xi32, #tpu.memory_space<vmem>>) semaphore(%arg15 : memref<!tpu.dma_semaphore, #tpu.memory_space<semaphore_mem>>)
      } else {
      }
    }
    %scan3A_27 = arith.constant 20 : i32
    %dma_wait3A = arith.constant 78 : i32
    %dma_wait3A_28 = arith.constant 0 : i32
    %dma_wait3A_29 = tpu.memref_slice %arg8[%dma_wait3A, %dma_wait3A_28] : memref<80x128xi32, #tpu.memory_space<vmem>> -> memref<1x128xi32, #tpu.memory_space<vmem>>
    %dma_wait3A_30 = tpu.memref_squeeze %dma_wait3A_29 : memref<1x128xi32, #tpu.memory_space<vmem>> -> memref<128xi32, #tpu.memory_space<vmem>>
    %dma_wait3A_31 = arith.constant 0 : i32
    %dma_wait3A_32 = arith.constant 0 : i32
    %dma_wait3A_33 = tpu.memref_slice %arg22[%dma_wait3A_31, %dma_wait3A_32] : memref<10240x16xf32, #tpu.memory_space<vmem_shared>> -> memref<10240x16xf32, #tpu.memory_space<vmem_shared>>
    tpu.wait_indirect_dma semaphore(%arg20 : memref<!tpu.dma_semaphore, #tpu.memory_space<semaphore_mem>>) src(%arg12 : memref<128x16xf32, #tpu.memory_space<vmem>>) dst(%dma_wait3A_33 : memref<10240x16xf32, #tpu.memory_space<vmem_shared>>)
    %dma_wait3A_34 = arith.constant 79 : i32
    %dma_wait3A_35 = arith.constant 0 : i32
    %dma_wait3A_36 = tpu.memref_slice %arg8[%dma_wait3A_34, %dma_wait3A_35] : memref<80x128xi32, #tpu.memory_space<vmem>> -> memref<1x128xi32, #tpu.memory_space<vmem>>
    %dma_wait3A_37 = tpu.memref_squeeze %dma_wait3A_36 : memref<1x128xi32, #tpu.memory_space<vmem>> -> memref<128xi32, #tpu.memory_space<vmem>>
    %dma_wait3A_38 = arith.constant 0 : i32
    %dma_wait3A_39 = arith.constant 0 : i32
    %dma_wait3A_40 = tpu.memref_slice %arg22[%dma_wait3A_38, %dma_wait3A_39] : memref<10240x16xf32, #tpu.memory_space<vmem_shared>> -> memref<10240x16xf32, #tpu.memory_space<vmem_shared>>
    tpu.wait_indirect_dma semaphore(%arg21 : memref<!tpu.dma_semaphore, #tpu.memory_space<semaphore_mem>>) src(%arg13 : memref<128x16xf32, #tpu.memory_space<vmem>>) dst(%dma_wait3A_40 : memref<10240x16xf32, #tpu.memory_space<vmem_shared>>)
    %eq3A = arith.constant 0 : i32
    %eq3A_41 = arith.cmpi eq, %arg0, %eq3A : i32
    %convert_element_type3A = arith.extui %eq3A_41 : i1 to i32
    %cond3A = arith.constant 0 : i32
    %cond3A_42 = arith.cmpi ne, %convert_element_type3A, %cond3A : i32
    scf.if %cond3A_42 {
      %scan3A_48 = arith.constant 0 : i32
      %scan3A_49 = arith.constant 5 : i32
      %scan3A_50 = arith.addi %scan3A_48, %scan3A_49 : i32
      %scan3A_51 = arith.constant 1 : i32
      scf.for %scan3A_53 = %scan3A_48 to %scan3A_50 step %scan3A_51  : i32 {
        %mul3A_54 = arith.constant 128 : i32
        %mul3A_55 = arith.muli %scan3A_53, %mul3A_54 : i32
        %add3A_56 = arith.constant 0 : i32
        %add3A_57 = arith.addi %add3A_56, %mul3A_55 : i32
        %mul3A_58 = arith.constant 640 : i32
        %mul3A_59 = arith.muli %arg1, %mul3A_58 : i32
        %add3A_60 = arith.addi %mul3A_59, %add3A_57 : i32
        %scan3A_61 = arith.constant 0 : i32
        %scan3A_62 = arith.constant 8 : i32
        %scan3A_63 = arith.addi %scan3A_61, %scan3A_62 : i32
        %scan3A_64 = arith.constant 1 : i32
        scf.for %scan3A_66 = %scan3A_61 to %scan3A_63 step %scan3A_64  : i32 {
          %mul3A_67 = arith.constant 16 : i32
          %mul3A_68 = arith.muli %scan3A_66, %mul3A_67 : i32
          %add3A_69 = arith.constant 0 : i32
          %add3A_70 = arith.addi %add3A_69, %mul3A_68 : i32
          %iota3A = tpu.iota {dimensions = array<i32: 0>} : vector<16xi32>
          %add3A_71 = vector.broadcast %add3A_60 : i32 to vector<16xi32>
          %add3A_72 = arith.addi %iota3A, %add3A_71 : vector<16xi32>
          %add3A_73 = vector.broadcast %add3A_70 : i32 to vector<16xi32>
          %add3A_74 = arith.addi %add3A_72, %add3A_73 : vector<16xi32>
          %swap3A = arith.index_cast %add3A_70 : i32 to index
          %swap3A_75 = tpu.vector_load %arg9[%swap3A] {strides = array<i32>} : memref<128xi32, #tpu.memory_space<vmem>>, vector<16xi32>,
          tpu.vector_store %arg9[%swap3A], %add3A_74 {strides = array<i32>} : memref<128xi32, #tpu.memory_space<vmem>>, vector<16xi32>,
        }
        %scan3A_65 = arith.constant 8 : i32
        "tpu.region"() ({
          %run_scoped3A = tpu.sem_alloc : memref<!tpu.dma_semaphore, #tpu.memory_space<semaphore_mem>>
          %dma_start3A_66 = arith.constant 0 : i32
          %dma_start3A_67 = tpu.memref_slice %arg23[%add3A_60, %dma_start3A_66] : memref<10240x16xf32, #tpu.memory_space<vmem_shared>> -> memref<128x16xf32, #tpu.memory_space<vmem_shared>>
          %dma_start3A_68 = arith.constant 0 : i32
          %dma_start3A_69 = tpu.memref_slice %arg23[%add3A_60, %dma_start3A_68] : memref<10240x16xf32, #tpu.memory_space<vmem_shared>> -> memref<128x16xf32, #tpu.memory_space<vmem_shared>>
          tpu.enqueue_dma source(%dma_start3A_69 : memref<128x16xf32, #tpu.memory_space<vmem_shared>>) target(%arg10 : memref<128x16xf32, #tpu.memory_space<vmem>>) target_semaphore(%run_scoped3A : memref<!tpu.dma_semaphore, #tpu.memory_space<semaphore_mem>>)
          %dma_wait3A_70 = arith.constant 0 : i32
          %dma_wait3A_71 = tpu.memref_slice %arg23[%add3A_60, %dma_wait3A_70] : memref<10240x16xf32, #tpu.memory_space<vmem_shared>> -> memref<128x16xf32, #tpu.memory_space<vmem_shared>>
          %dma_wait3A_72 = arith.constant 0 : i32
          %dma_wait3A_73 = tpu.memref_slice %arg23[%add3A_60, %dma_wait3A_72] : memref<10240x16xf32, #tpu.memory_space<vmem_shared>> -> memref<128x16xf32, #tpu.memory_space<vmem_shared>>
          tpu.wait_dma2 semaphore(%run_scoped3A : memref<!tpu.dma_semaphore, #tpu.memory_space<semaphore_mem>>) src(%dma_wait3A_73 : memref<128x16xf32, #tpu.memory_space<vmem_shared>>) dst(%arg10 : memref<128x16xf32, #tpu.memory_space<vmem>>)
          tpu.yield
        }) : () -> ()
        "tpu.region"() ({
          %run_scoped3A = tpu.sem_alloc : memref<!tpu.dma_semaphore, #tpu.memory_space<semaphore_mem>>
          %dma_start3A_66 = arith.constant 0 : i32
          %dma_start3A_67 = arith.constant 0 : i32
          %dma_start3A_68 = tpu.memref_slice %arg22[%dma_start3A_66, %dma_start3A_67] : memref<10240x16xf32, #tpu.memory_space<vmem_shared>> -> memref<10240x16xf32, #tpu.memory_space<vmem_shared>>
          tpu.enqueue_indirect_dma source(%arg10 : memref<128x16xf32, #tpu.memory_space<vmem>>) target(%dma_start3A_68 : memref<10240x16xf32, #tpu.memory_space<vmem_shared>>) offsets(%arg9 : memref<128xi32, #tpu.memory_space<vmem>>) semaphore(%run_scoped3A : memref<!tpu.dma_semaphore, #tpu.memory_space<semaphore_mem>>) {add = true}
          %dma_wait3A_69 = arith.constant 0 : i32
          %dma_wait3A_70 = arith.constant 0 : i32
          %dma_wait3A_71 = tpu.memref_slice %arg22[%dma_wait3A_69, %dma_wait3A_70] : memref<10240x16xf32, #tpu.memory_space<vmem_shared>> -> memref<10240x16xf32, #tpu.memory_space<vmem_shared>>
          tpu.wait_indirect_dma semaphore(%run_scoped3A : memref<!tpu.dma_semaphore, #tpu.memory_space<semaphore_mem>>) src(%arg10 : memref<128x16xf32, #tpu.memory_space<vmem>>) dst(%dma_wait3A_71 : memref<10240x16xf32, #tpu.memory_space<vmem_shared>>)
          tpu.yield
        }) : () -> ()
      }
      %scan3A_52 = arith.constant 5 : i32
    } else {
    }
    %barrier3A_43 = arith.constant 0 : index
    tpu.barrier barrier_id(%barrier3A_43)
    %mul3A_44 = arith.constant 640 : i32
    %mul3A_45 = arith.muli %arg1, %mul3A_44 : i32
    %mul3A_46 = arith.constant 640 : i32
    %mul3A_47 = arith.muli %arg1, %mul3A_46 : i32
    "tpu.region"() ({
      %run_scoped3A = tpu.sem_alloc : memref<!tpu.dma_semaphore, #tpu.memory_space<semaphore_mem>>
      %dma_start3A_48 = arith.constant 0 : i32
      %dma_start3A_49 = arith.constant 0 : i32
      %dma_start3A_50 = tpu.memref_slice %arg6[%arg0, %dma_start3A_48, %dma_start3A_49] : memref<2x10240x16xf32, #tpu.memory_space<hbm>> -> memref<1x10240x16xf32, #tpu.memory_space<hbm>>
      %dma_start3A_51 = tpu.memref_squeeze %dma_start3A_50 : memref<1x10240x16xf32, #tpu.memory_space<hbm>> -> memref<10240x16xf32, #tpu.memory_space<hbm>>
      %dma_start3A_52 = arith.constant 0 : i32
      %dma_start3A_53 = tpu.memref_slice %dma_start3A_51[%mul3A_47, %dma_start3A_52] : memref<10240x16xf32, #tpu.memory_space<hbm>> -> memref<640x16xf32, #tpu.memory_space<hbm>>
      %dma_start3A_54 = arith.constant 0 : i32
      %dma_start3A_55 = tpu.memref_slice %arg22[%mul3A_45, %dma_start3A_54] : memref<10240x16xf32, #tpu.memory_space<vmem_shared>> -> memref<640x16xf32, #tpu.memory_space<vmem_shared>>
      tpu.enqueue_dma source(%dma_start3A_55 : memref<640x16xf32, #tpu.memory_space<vmem_shared>>) target(%dma_start3A_53 : memref<640x16xf32, #tpu.memory_space<hbm>>) target_semaphore(%run_scoped3A : memref<!tpu.dma_semaphore, #tpu.memory_space<semaphore_mem>>)
      %dma_wait3A_56 = arith.constant 0 : i32
      %dma_wait3A_57 = arith.constant 0 : i32
      %dma_wait3A_58 = tpu.memref_slice %arg6[%arg0, %dma_wait3A_56, %dma_wait3A_57] : memref<2x10240x16xf32, #tpu.memory_space<hbm>> -> memref<1x10240x16xf32, #tpu.memory_space<hbm>>
      %dma_wait3A_59 = tpu.memref_squeeze %dma_wait3A_58 : memref<1x10240x16xf32, #tpu.memory_space<hbm>> -> memref<10240x16xf32, #tpu.memory_space<hbm>>
      %dma_wait3A_60 = arith.constant 0 : i32
      %dma_wait3A_61 = tpu.memref_slice %dma_wait3A_59[%mul3A_47, %dma_wait3A_60] : memref<10240x16xf32, #tpu.memory_space<hbm>> -> memref<640x16xf32, #tpu.memory_space<hbm>>
      %dma_wait3A_62 = arith.constant 0 : i32
      %dma_wait3A_63 = tpu.memref_slice %arg22[%mul3A_45, %dma_wait3A_62] : memref<10240x16xf32, #tpu.memory_space<vmem_shared>> -> memref<640x16xf32, #tpu.memory_space<vmem_shared>>
      tpu.wait_dma2 semaphore(%run_scoped3A : memref<!tpu.dma_semaphore, #tpu.memory_space<semaphore_mem>>) src(%dma_wait3A_63 : memref<640x16xf32, #tpu.memory_space<vmem_shared>>) dst(%dma_wait3A_61 : memref<640x16xf32, #tpu.memory_space<hbm>>)
      tpu.yield
    }) : () -> ()
    return
  }
}

#map = affine_map<(d0, d1) -> (0, 0)>
#map1 = affine_map<(d0, d1) -> (0, 0, 0)>
module attributes {stable_mosaic.version = 14 : i64} {
  func.func @_sc_hist(%arg0: i32, %arg1: i32, %arg2: memref<2560x128xi32, #tpu.memory_space<hbm>>, %arg3: memref<640x16xf32, #tpu.memory_space<hbm>>, %arg4: memref<128x16xf32, #tpu.memory_space<hbm>>, %arg5: memref<2x10240x16xf32, #tpu.memory_space<hbm>>, %arg6: memref<80x128xi32, #tpu.memory_space<vmem>>, %arg7: memref<128x16xf32, #tpu.memory_space<vmem>>, %arg8: memref<10240x16xf32, #tpu.memory_space<vmem_shared>>, %arg9: memref<!tpu.dma_semaphore, #tpu.memory_space<semaphore_mem>>) attributes {dimension_semantics = [#tpu.dimension_semantics<core_parallel>, #tpu.dimension_semantics<subcore_parallel>], iteration_bounds = array<i64: 2, 16>, scalar_prefetch = 0 : i64, scratch_operands = 4 : i64, tpu.core_type = #tpu.core_type<sc_vector_subcore>, window_params = [{transform_indices = #map}, {transform_indices = #map}, {transform_indices = #map}, {transform_indices = #map1}]} {
    %mul3A = arith.constant 2 : i32
    %mul3A_0 = arith.muli %arg1, %mul3A : i32
    %add3A = arith.addi %mul3A_0, %arg0 : i32
    %mul3A_1 = arith.constant 640 : i32
    %mul3A_2 = arith.muli %arg1, %mul3A_1 : i32
    "tpu.region"() ({
      %run_scoped3A = tpu.sem_alloc : memref<!tpu.dma_semaphore, #tpu.memory_space<semaphore_mem>>
      %dma_start3A = arith.constant 0 : i32
      %dma_start3A_19 = tpu.memref_slice %arg8[%mul3A_2, %dma_start3A] : memref<10240x16xf32, #tpu.memory_space<vmem_shared>> -> memref<640x16xf32, #tpu.memory_space<vmem_shared>>
      tpu.enqueue_dma source(%arg3 : memref<640x16xf32, #tpu.memory_space<hbm>>) target(%dma_start3A_19 : memref<640x16xf32, #tpu.memory_space<vmem_shared>>) target_semaphore(%run_scoped3A : memref<!tpu.dma_semaphore, #tpu.memory_space<semaphore_mem>>)
      %dma_wait3A = arith.constant 0 : i32
      %dma_wait3A_20 = tpu.memref_slice %arg8[%mul3A_2, %dma_wait3A] : memref<10240x16xf32, #tpu.memory_space<vmem_shared>> -> memref<640x16xf32, #tpu.memory_space<vmem_shared>>
      tpu.wait_dma2 semaphore(%run_scoped3A : memref<!tpu.dma_semaphore, #tpu.memory_space<semaphore_mem>>) src(%arg3 : memref<640x16xf32, #tpu.memory_space<hbm>>) dst(%dma_wait3A_20 : memref<640x16xf32, #tpu.memory_space<vmem_shared>>)
      tpu.yield
    }) : () -> ()
    "tpu.region"() ({
      %run_scoped3A = tpu.sem_alloc : memref<!tpu.dma_semaphore, #tpu.memory_space<semaphore_mem>>
      tpu.enqueue_dma source(%arg4 : memref<128x16xf32, #tpu.memory_space<hbm>>) target(%arg7 : memref<128x16xf32, #tpu.memory_space<vmem>>) target_semaphore(%run_scoped3A : memref<!tpu.dma_semaphore, #tpu.memory_space<semaphore_mem>>)
      tpu.wait_dma2 semaphore(%run_scoped3A : memref<!tpu.dma_semaphore, #tpu.memory_space<semaphore_mem>>) src(%arg4 : memref<128x16xf32, #tpu.memory_space<hbm>>) dst(%arg7 : memref<128x16xf32, #tpu.memory_space<vmem>>)
      tpu.yield
    }) : () -> ()
    %mul3A_3 = arith.constant 80 : i32
    %mul3A_4 = arith.muli %add3A, %mul3A_3 : i32
    "tpu.region"() ({
      %run_scoped3A = tpu.sem_alloc : memref<!tpu.dma_semaphore, #tpu.memory_space<semaphore_mem>>
      %dma_start3A = arith.constant 0 : i32
      %dma_start3A_19 = tpu.memref_slice %arg2[%mul3A_4, %dma_start3A] : memref<2560x128xi32, #tpu.memory_space<hbm>> -> memref<80x128xi32, #tpu.memory_space<hbm>>
      %dma_start3A_20 = arith.constant 0 : i32
      %dma_start3A_21 = tpu.memref_slice %arg2[%mul3A_4, %dma_start3A_20] : memref<2560x128xi32, #tpu.memory_space<hbm>> -> memref<80x128xi32, #tpu.memory_space<hbm>>
      tpu.enqueue_dma source(%dma_start3A_21 : memref<80x128xi32, #tpu.memory_space<hbm>>) target(%arg6 : memref<80x128xi32, #tpu.memory_space<vmem>>) target_semaphore(%run_scoped3A : memref<!tpu.dma_semaphore, #tpu.memory_space<semaphore_mem>>)
      %dma_wait3A = arith.constant 0 : i32
      %dma_wait3A_22 = tpu.memref_slice %arg2[%mul3A_4, %dma_wait3A] : memref<2560x128xi32, #tpu.memory_space<hbm>> -> memref<80x128xi32, #tpu.memory_space<hbm>>
      %dma_wait3A_23 = arith.constant 0 : i32
      %dma_wait3A_24 = tpu.memref_slice %arg2[%mul3A_4, %dma_wait3A_23] : memref<2560x128xi32, #tpu.memory_space<hbm>> -> memref<80x128xi32, #tpu.memory_space<hbm>>
      tpu.wait_dma2 semaphore(%run_scoped3A : memref<!tpu.dma_semaphore, #tpu.memory_space<semaphore_mem>>) src(%dma_wait3A_24 : memref<80x128xi32, #tpu.memory_space<hbm>>) dst(%arg6 : memref<80x128xi32, #tpu.memory_space<vmem>>)
      tpu.yield
    }) : () -> ()
    %barrier3A = arith.constant 0 : index
    tpu.barrier barrier_id(%barrier3A)
    %scan3A = arith.constant 0 : i32
    %scan3A_5 = arith.constant 80 : i32
    %scan3A_6 = arith.addi %scan3A, %scan3A_5 : i32
    %scan3A_7 = arith.constant 1 : i32
    scf.for %scan3A_19 = %scan3A to %scan3A_6 step %scan3A_7  : i32 {
      %mul3A_20 = arith.constant 1 : i32
      %mul3A_21 = arith.muli %scan3A_19, %mul3A_20 : i32
      %add3A_22 = arith.constant 0 : i32
      %add3A_23 = arith.addi %add3A_22, %mul3A_21 : i32
      %dma_start3A = arith.constant 0 : i32
      %dma_start3A_24 = tpu.memref_slice %arg6[%add3A_23, %dma_start3A] : memref<80x128xi32, #tpu.memory_space<vmem>> -> memref<1x128xi32, #tpu.memory_space<vmem>>
      %dma_start3A_25 = tpu.memref_squeeze %dma_start3A_24 : memref<1x128xi32, #tpu.memory_space<vmem>> -> memref<128xi32, #tpu.memory_space<vmem>>
      %dma_start3A_26 = arith.constant 0 : i32
      %dma_start3A_27 = arith.constant 0 : i32
      %dma_start3A_28 = tpu.memref_slice %arg8[%dma_start3A_26, %dma_start3A_27] : memref<10240x16xf32, #tpu.memory_space<vmem_shared>> -> memref<10240x16xf32, #tpu.memory_space<vmem_shared>>
      tpu.enqueue_indirect_dma source(%arg7 : memref<128x16xf32, #tpu.memory_space<vmem>>) target(%dma_start3A_28 : memref<10240x16xf32, #tpu.memory_space<vmem_shared>>) offsets(%dma_start3A_25 : memref<128xi32, #tpu.memory_space<vmem>>) semaphore(%arg9 : memref<!tpu.dma_semaphore, #tpu.memory_space<semaphore_mem>>) {add = true}
    }
    %scan3A_8 = arith.constant 80 : i32
    %scan3A_9 = arith.constant 0 : i32
    %scan3A_10 = arith.constant 80 : i32
    %scan3A_11 = arith.addi %scan3A_9, %scan3A_10 : i32
    %scan3A_12 = arith.constant 1 : i32
    scf.for %scan3A_19 = %scan3A_9 to %scan3A_11 step %scan3A_12  : i32 {
      %mul3A_20 = arith.constant 1 : i32
      %mul3A_21 = arith.muli %scan3A_19, %mul3A_20 : i32
      %add3A_22 = arith.constant 0 : i32
      %add3A_23 = arith.addi %add3A_22, %mul3A_21 : i32
      %dma_wait3A = arith.constant 0 : i32
      %dma_wait3A_24 = tpu.memref_slice %arg6[%add3A_23, %dma_wait3A] : memref<80x128xi32, #tpu.memory_space<vmem>> -> memref<1x128xi32, #tpu.memory_space<vmem>>
      %dma_wait3A_25 = tpu.memref_squeeze %dma_wait3A_24 : memref<1x128xi32, #tpu.memory_space<vmem>> -> memref<128xi32, #tpu.memory_space<vmem>>
      %dma_wait3A_26 = arith.constant 0 : i32
      %dma_wait3A_27 = arith.constant 0 : i32
      %dma_wait3A_28 = tpu.memref_slice %arg8[%dma_wait3A_26, %dma_wait3A_27] : memref<10240x16xf32, #tpu.memory_space<vmem_shared>> -> memref<10240x16xf32, #tpu.memory_space<vmem_shared>>
      tpu.wait_indirect_dma semaphore(%arg9 : memref<!tpu.dma_semaphore, #tpu.memory_space<semaphore_mem>>) src(%arg7 : memref<128x16xf32, #tpu.memory_space<vmem>>) dst(%dma_wait3A_28 : memref<10240x16xf32, #tpu.memory_space<vmem_shared>>)
    }
    %scan3A_13 = arith.constant 80 : i32
    %barrier3A_14 = arith.constant 0 : index
    tpu.barrier barrier_id(%barrier3A_14)
    %mul3A_15 = arith.constant 640 : i32
    %mul3A_16 = arith.muli %arg1, %mul3A_15 : i32
    %mul3A_17 = arith.constant 640 : i32
    %mul3A_18 = arith.muli %arg1, %mul3A_17 : i32
    "tpu.region"() ({
      %run_scoped3A = tpu.sem_alloc : memref<!tpu.dma_semaphore, #tpu.memory_space<semaphore_mem>>
      %dma_start3A = arith.constant 0 : i32
      %dma_start3A_19 = arith.constant 0 : i32
      %dma_start3A_20 = tpu.memref_slice %arg5[%arg0, %dma_start3A, %dma_start3A_19] : memref<2x10240x16xf32, #tpu.memory_space<hbm>> -> memref<1x10240x16xf32, #tpu.memory_space<hbm>>
      %dma_start3A_21 = tpu.memref_squeeze %dma_start3A_20 : memref<1x10240x16xf32, #tpu.memory_space<hbm>> -> memref<10240x16xf32, #tpu.memory_space<hbm>>
      %dma_start3A_22 = arith.constant 0 : i32
      %dma_start3A_23 = tpu.memref_slice %dma_start3A_21[%mul3A_18, %dma_start3A_22] : memref<10240x16xf32, #tpu.memory_space<hbm>> -> memref<640x16xf32, #tpu.memory_space<hbm>>
      %dma_start3A_24 = arith.constant 0 : i32
      %dma_start3A_25 = tpu.memref_slice %arg8[%mul3A_16, %dma_start3A_24] : memref<10240x16xf32, #tpu.memory_space<vmem_shared>> -> memref<640x16xf32, #tpu.memory_space<vmem_shared>>
      tpu.enqueue_dma source(%dma_start3A_25 : memref<640x16xf32, #tpu.memory_space<vmem_shared>>) target(%dma_start3A_23 : memref<640x16xf32, #tpu.memory_space<hbm>>) target_semaphore(%run_scoped3A : memref<!tpu.dma_semaphore, #tpu.memory_space<semaphore_mem>>)
      %dma_wait3A = arith.constant 0 : i32
      %dma_wait3A_26 = arith.constant 0 : i32
      %dma_wait3A_27 = tpu.memref_slice %arg5[%arg0, %dma_wait3A, %dma_wait3A_26] : memref<2x10240x16xf32, #tpu.memory_space<hbm>> -> memref<1x10240x16xf32, #tpu.memory_space<hbm>>
      %dma_wait3A_28 = tpu.memref_squeeze %dma_wait3A_27 : memref<1x10240x16xf32, #tpu.memory_space<hbm>> -> memref<10240x16xf32, #tpu.memory_space<hbm>>
      %dma_wait3A_29 = arith.constant 0 : i32
      %dma_wait3A_30 = tpu.memref_slice %dma_wait3A_28[%mul3A_18, %dma_wait3A_29] : memref<10240x16xf32, #tpu.memory_space<hbm>> -> memref<640x16xf32, #tpu.memory_space<hbm>>
      %dma_wait3A_31 = arith.constant 0 : i32
      %dma_wait3A_32 = tpu.memref_slice %arg8[%mul3A_16, %dma_wait3A_31] : memref<10240x16xf32, #tpu.memory_space<vmem_shared>> -> memref<640x16xf32, #tpu.memory_space<vmem_shared>>
      tpu.wait_dma2 semaphore(%run_scoped3A : memref<!tpu.dma_semaphore, #tpu.memory_space<semaphore_mem>>) src(%dma_wait3A_32 : memref<640x16xf32, #tpu.memory_space<vmem_shared>>) dst(%dma_wait3A_30 : memref<640x16xf32, #tpu.memory_space<hbm>>)
      tpu.yield
    }) : () -> ()
    return
  }
}

module attributes {stable_mosaic.version = 14 : i64} {
  func.func @_tc_mm1scale_body(%arg0: memref<2x10240x16xf32, #tpu.memory_space<vmem>>, %arg1: memref<10000x128xf32, #tpu.memory_space<vmem>>, %arg2: memref<128x16xf32, #tpu.memory_space<vmem>>, %arg3: memref<10240x16xf32, #tpu.memory_space<vmem>>) attributes {dimension_semantics = [], scalar_prefetch = 0 : i64, scratch_operands = 0 : i64, tpu.core_type = #tpu.core_type<tc>} {
    %get3A = arith.constant 0 : index
    %get3A_0 = arith.constant 0 : index
    %get3A_1 = arith.constant 0 : index
    %get3A_2 = vector.load %arg0[%get3A, %get3A_0, %get3A_1] : memref<2x10240x16xf32, #tpu.memory_space<vmem>>, vector<1x10240x16xf32>
    %get3A_3 = vector.shape_cast %get3A_2 : vector<1x10240x16xf32> to vector<10240x16xf32>
    %get3A_4 = arith.constant 1 : index
    %get3A_5 = arith.constant 0 : index
    %get3A_6 = arith.constant 0 : index
    %get3A_7 = vector.load %arg0[%get3A_4, %get3A_5, %get3A_6] : memref<2x10240x16xf32, #tpu.memory_space<vmem>>, vector<1x10240x16xf32>
    %get3A_8 = vector.shape_cast %get3A_7 : vector<1x10240x16xf32> to vector<10240x16xf32>
    %add3A = arith.addf %get3A_3, %get3A_8 : vector<10240x16xf32>
    %add3A_9 = arith.constant 1.000000e+00 : f32
    %add3A_10 = vector.broadcast %add3A_9 : f32 to vector<10240x16xf32>
    %add3A_11 = arith.addf %add3A, %add3A_10 : vector<10240x16xf32>
    %rsqrt3A = math.rsqrt %add3A_11 : vector<10240x16xf32>
    %get3A_12 = arith.constant 0 : index
    %get3A_13 = arith.constant 0 : index
    %get3A_14 = vector.load %arg1[%get3A_12, %get3A_13] : memref<10000x128xf32, #tpu.memory_space<vmem>>, vector<10000x128xf32>
    %get3A_15 = arith.constant 0 : index
    %get3A_16 = arith.constant 0 : index
    %get3A_17 = vector.load %arg2[%get3A_15, %get3A_16] : memref<128x16xf32, #tpu.memory_space<vmem>>, vector<128x16xf32>
    %dot_general3A = arith.constant dense<0.000000e+00> : vector<10000x16xf32>
    %dot_general3A_18 = tpu.matmul %get3A_14, %get3A_17, %dot_general3A {dimension_numbers = #tpu.dot_dimension_numbers<[1], [0], [0], [1], [0, 0, 1, 1], [], []>, transpose_lhs_hint = false} : vector<10000x128xf32>, vector<128x16xf32>, vector<10000x16xf32> -> vector<10000x16xf32>
    %slice3A = vector.extract_strided_slice %rsqrt3A {offsets = [0, 0], sizes = [10000, 16], strides = [1, 1]} : vector<10240x16xf32> to vector<10000x16xf32>
    %mul3A = arith.mulf %dot_general3A_18, %slice3A : vector<10000x16xf32>
    %swap3A = arith.constant 0 : index
    %swap3A_19 = arith.constant 0 : index
    %swap3A_20 = vector.load %arg3[%swap3A, %swap3A_19] : memref<10240x16xf32, #tpu.memory_space<vmem>>, vector<10000x16xf32>
    tpu.vector_store %arg3[%swap3A, %swap3A_19], %mul3A {strides = array<i32>} : memref<10240x16xf32, #tpu.memory_space<vmem>>, vector<10000x16xf32>,
    %broadcast_in_dim3A = arith.constant 0.000000e+00 : f32
    %broadcast_in_dim3A_21 = vector.broadcast %broadcast_in_dim3A : f32 to vector<240x16xf32>
    %swap3A_22 = arith.constant 10000 : index
    %swap3A_23 = arith.constant 0 : index
    %swap3A_24 = vector.load %arg3[%swap3A_22, %swap3A_23] : memref<10240x16xf32, #tpu.memory_space<vmem>>, vector<240x16xf32>
    tpu.vector_store %arg3[%swap3A_22, %swap3A_23], %broadcast_in_dim3A_21 {strides = array<i32>} : memref<10240x16xf32, #tpu.memory_space<vmem>>, vector<240x16xf32>,
    return
  }
}

module attributes {stable_mosaic.version = 14 : i64} {
  func.func @_tc_layer2_body(%arg0: memref<2560x128xf32, #tpu.memory_space<vmem>>, %arg1: memref<2560x128xf32, #tpu.memory_space<vmem>>, %arg2: memref<1x128xf32, #tpu.memory_space<vmem>>, %arg3: memref<1280x128xf32, #tpu.memory_space<vmem>>) attributes {dimension_semantics = [], scalar_prefetch = 0 : i64, scratch_operands = 0 : i64, tpu.core_type = #tpu.core_type<tc>} {
    %get3A = arith.constant 0 : index
    %get3A_0 = arith.constant 0 : index
    %get3A_1 = vector.load %arg0[%get3A, %get3A_0] : memref<2560x128xf32, #tpu.memory_space<vmem>>, vector<1280x128xf32>
    %get3A_2 = arith.constant 1280 : index
    %get3A_3 = arith.constant 0 : index
    %get3A_4 = vector.load %arg0[%get3A_2, %get3A_3] : memref<2560x128xf32, #tpu.memory_space<vmem>>, vector<1280x128xf32>
    %add3A = arith.addf %get3A_1, %get3A_4 : vector<1280x128xf32>
    %add3A_5 = arith.constant 1.000000e+00 : f32
    %add3A_6 = vector.broadcast %add3A_5 : f32 to vector<1280x128xf32>
    %add3A_7 = arith.addf %add3A, %add3A_6 : vector<1280x128xf32>
    %rsqrt3A = math.rsqrt %add3A_7 : vector<1280x128xf32>
    %get3A_8 = arith.constant 0 : index
    %get3A_9 = arith.constant 0 : index
    %get3A_10 = vector.load %arg1[%get3A_8, %get3A_9] : memref<2560x128xf32, #tpu.memory_space<vmem>>, vector<1280x128xf32>
    %get3A_11 = arith.constant 1280 : index
    %get3A_12 = arith.constant 0 : index
    %get3A_13 = vector.load %arg1[%get3A_11, %get3A_12] : memref<2560x128xf32, #tpu.memory_space<vmem>>, vector<1280x128xf32>
    %add3A_14 = arith.addf %get3A_10, %get3A_13 : vector<1280x128xf32>
    %mul3A = arith.mulf %add3A_14, %rsqrt3A : vector<1280x128xf32>
    %get3A_15 = arith.constant 0 : index
    %get3A_16 = arith.constant 0 : index
    %get3A_17 = vector.load %arg2[%get3A_15, %get3A_16] : memref<1x128xf32, #tpu.memory_space<vmem>>, vector<1x128xf32>
    %add3A_18 = vector.broadcast %get3A_17 : vector<1x128xf32> to vector<1280x128xf32>
    %add3A_19 = arith.addf %mul3A, %add3A_18 : vector<1280x128xf32>
    %max3A = arith.constant 0.000000e+00 : f32
    %max3A_20 = vector.broadcast %max3A : f32 to vector<1280x128xf32>
    %max3A_21 = arith.maximumf %add3A_19, %max3A_20 : vector<1280x128xf32>
    %mul3A_22 = arith.mulf %max3A_21, %rsqrt3A : vector<1280x128xf32>
    %swap3A = arith.constant 0 : index
    %swap3A_23 = arith.constant 0 : index
    %swap3A_24 = vector.load %arg3[%swap3A, %swap3A_23] : memref<1280x128xf32, #tpu.memory_space<vmem>>, vector<1280x128xf32>
    tpu.vector_store %arg3[%swap3A, %swap3A_23], %mul3A_22 {strides = array<i32>} : memref<1280x128xf32, #tpu.memory_space<vmem>>, vector<1280x128xf32>,
    return
  }
}

module attributes {stable_mosaic.version = 14 : i64} {
  func.func @_tc_final_body(%arg0: memref<2560x128xf32, #tpu.memory_space<vmem>>, %arg1: memref<2560x128xf32, #tpu.memory_space<vmem>>, %arg2: memref<128x8xf32, #tpu.memory_space<vmem>>, %arg3: memref<1x1xf32, #tpu.memory_space<vmem>>, %arg4: memref<1280x8xf32, #tpu.memory_space<vmem>>) attributes {dimension_semantics = [], scalar_prefetch = 0 : i64, scratch_operands = 0 : i64, tpu.core_type = #tpu.core_type<tc>} {
    %get3A = arith.constant 0 : index
    %get3A_0 = arith.constant 0 : index
    %get3A_1 = vector.load %arg0[%get3A, %get3A_0] : memref<2560x128xf32, #tpu.memory_space<vmem>>, vector<1280x128xf32>
    %get3A_2 = arith.constant 1280 : index
    %get3A_3 = arith.constant 0 : index
    %get3A_4 = vector.load %arg0[%get3A_2, %get3A_3] : memref<2560x128xf32, #tpu.memory_space<vmem>>, vector<1280x128xf32>
    %add3A = arith.addf %get3A_1, %get3A_4 : vector<1280x128xf32>
    %add3A_5 = arith.constant 1.000000e+00 : f32
    %add3A_6 = vector.broadcast %add3A_5 : f32 to vector<1280x128xf32>
    %add3A_7 = arith.addf %add3A, %add3A_6 : vector<1280x128xf32>
    %rsqrt3A = math.rsqrt %add3A_7 : vector<1280x128xf32>
    %get3A_8 = arith.constant 0 : index
    %get3A_9 = arith.constant 0 : index
    %get3A_10 = vector.load %arg1[%get3A_8, %get3A_9] : memref<2560x128xf32, #tpu.memory_space<vmem>>, vector<1280x128xf32>
    %get3A_11 = arith.constant 1280 : index
    %get3A_12 = arith.constant 0 : index
    %get3A_13 = vector.load %arg1[%get3A_11, %get3A_12] : memref<2560x128xf32, #tpu.memory_space<vmem>>, vector<1280x128xf32>
    %add3A_14 = arith.addf %get3A_10, %get3A_13 : vector<1280x128xf32>
    %mul3A = arith.mulf %add3A_14, %rsqrt3A : vector<1280x128xf32>
    %get3A_15 = arith.constant 0 : index
    %get3A_16 = arith.constant 0 : index
    %get3A_17 = vector.load %arg2[%get3A_15, %get3A_16] : memref<128x8xf32, #tpu.memory_space<vmem>>, vector<128x8xf32>
    %dot_general3A = arith.constant dense<0.000000e+00> : vector<1280x8xf32>
    %dot_general3A_18 = tpu.matmul %mul3A, %get3A_17, %dot_general3A {dimension_numbers = #tpu.dot_dimension_numbers<[1], [0], [0], [1], [0, 0, 1, 1], [], []>, transpose_lhs_hint = false} : vector<1280x128xf32>, vector<128x8xf32>, vector<1280x8xf32> -> vector<1280x8xf32>
    %get3A_19 = arith.constant 0 : index
    %get3A_20 = arith.constant 0 : index
    %get3A_21 = vector.load %arg3[%get3A_19, %get3A_20] : memref<1x1xf32, #tpu.memory_space<vmem>>, vector<1x1xf32>
    %add3A_22 = vector.broadcast %get3A_21 : vector<1x1xf32> to vector<1280x8xf32>
    %add3A_23 = arith.addf %dot_general3A_18, %add3A_22 : vector<1280x8xf32>
    %swap3A = arith.constant 0 : index
    %swap3A_24 = arith.constant 0 : index
    %swap3A_25 = vector.load %arg4[%swap3A, %swap3A_24] : memref<1280x8xf32, #tpu.memory_space<vmem>>, vector<1280x8xf32>
    tpu.vector_store %arg4[%swap3A, %swap3A_24], %add3A_23 {strides = array<i32>} : memref<1280x8xf32, #tpu.memory_space<vmem>>, vector<1280x8xf32>,
    return
  }
}

</mosaic_0001>

<sc_bundles>
// kernel: kernel.11.cloned.1.call-start
scs
__scs_entry_jumppad:
0x0: {  	(pc) =	sbr.rel $0x88, $3  }
0x1: {  	(tag) =	ssettag $0x0;
	lr =	simm.s32 $0x1  }
0x2: {  	[smem:$0x3F9B] =	sst lr;
	_ =	strace $0xD0000000  }
0x3: {  	_ = 	snop  }
0x4: {  	_ = 	snop  }
0x5: {  	_ = 	snop  }
0x6: {  	_ = 	snop  }
0x7: {  	_ = 	snop  }
__scs_overlays_trampoline_lowered:
0x8: {  	[smem:$0x3FAA] =	sst s0  }
0x9: {  	[smem:$0x3FAB] =	sst s1  }
0xa: {  	[smem:$0x3FAC] =	sst s2  }
0xb: {  	[smem:$0x3FAD] =	sst s3  }
0xc: {  	[smem:$0x3FAE] =	sst s4  }
0xd: {  	[smem:$0x3FAF] =	sst s5  }
0xe: {  	[smem:$0x3FB0] =	sst s6  }
0xf: {  	[smem:$0x3FB1] =	sst s7  }
0x10: {  	[smem:$0x3FB2] =	sst s8  }
0x11: {  	[smem:$0x3FB3] =	sst s9;
	s0 =	simm.s32 @!p0 $0x0  }
0x12: {  	s1 =	sld [smem:$0x3F99];
	s0 =	simm.s32 @p0 $0x1  }
0x13: {  	[smem:$0x3FB4] =	sst s0;
	s0 =	simm.s32 @!p1 $0x0  }
0x14: {  	s2 =	sld [smem:$0x3F98];
	s0 =	simm.s32 @p1 $0x1  }
0x15: {  	[smem:$0x3FB5] =	sst s0;
	s0 =	simm.s32 @!p2 $0x0  }
0x16: {  	s3 =	sld [smem:$0x3FDB];
	s0 =	simm.s32 @p2 $0x1  }
0x17: {  	s4 =	simm.s32 $0x1BF5;
	[smem:$0x3FB7] =	sst s0  }
0x18: {  	s0 =	sld [smem:$0x3F9A];
	_ =	swait.ge [sflag:s4], $0x0  }
0x19: {  	s7 =	sld [smem:$0x3F9B]  }
0x1a: {  	s8 =	sadd.s32 $0xFFFFE003, lr  }
0x1b: {  	s9 =	sadd.s32 $0xFFFFFEF7, lr;
	s5 =	simm.s32 $0xFFFFFFFF;
	p2 =	slt.u32 s8, $0xFFFFF086  }
0x1c: {  	p1 =	slt.u32 s9, $0xF7A;
	s5 =	simm.s32 @!p2 $0x0  }
0x1d: {  	s5 =	simm.s32 @p1 $0x1;
	p0 =	seq.s32 s7, s2  }
0x1e: {  	s7 =	smul.u32 @!p0 $0xF7A, s2;
	p2 =	seq.s32 @!p0 s5, $0x0  }
0x1f: {  	s9 =	smul.u32 $0xF7A, s1;
	s8 =	simm.s32 @!p0 $0x1BF5;
	p2 =	por !p2, p0  }
0x20: {  	[sflag:s8] =	ssyncset.s32 @!p0 $0xFFFFF086;
	s6 =	sadd.s32 @!p0 s3, s7;
	s7 =	simm.s32 @!p0 $0x108  }
0x21: {  	s3 =	sadd.s32 s3, s9;
	s6 =	sadd.s32 @!p0 $0x88, s6;
	s7 =	simm.s32 @p2 $0x1082  }
0x22: {  	[simem:s7], [sflag:s8] =	dma.local @!p0 [hbm:s6], $0xF7A  }
0x23: {  	s9 =	sor.u32 $0xD0000000, s2;
	s6 =	simm.s32 $0x108;
	_ =	swait.ge @!p0 [sflag:s8], $0x0  }
0x24: {  	s3 =	sadd.s32 $0x88, s3;
	s6 =	simm.s32 @!p1 $0x1082;
	[sflag:s4] =	ssyncset.s32 $0xFFFFF086  }
0x25: {  	[simem:s6], [sflag:s4] =	dma.local [hbm:s3], $0xF7A  }
0x26: {  	[smem:$0x3F9B] =	sst s1;
	(tag) =	ssettag s2;
	_ =	strace s9  }
0x27: {  	s1 =	sld [smem:$0x3FAB]  }
0x28: {  	s2 =	sld [smem:$0x3FAC]  }
0x29: {  	s4 =	sld [smem:$0x3FAE]  }
0x2a: {  	p0 =	seq.s32 s5, $0x0;
	s5 =	sld [smem:$0x3FAF]  }
0x2b: {  	s6 =	sld [smem:$0x3FB0]  }
0x2c: {  	s7 =	sld [smem:$0x3FB1]  }
0x2d: {  	s3 =	simm.s32 $0x108;
	s8 =	sld [smem:$0x3FB2]  }
0x2e: {  	s3 =	simm.s32 @!p0 $0x1082;
	s9 =	sld [smem:$0x3FB3]  }
0x2f: {  	lr =	sadd.s32 s0, s3;
	s0 =	sld [smem:$0x3FAA]  }
0x30: {  	s3 =	sld [smem:$0x3FAD]  }
0x31: {  	[smem:$0x3FB6] =	sst s10  }
0x32: {  	s10 =	sld [smem:$0x3FB4];
	_ =	sdelay $0x3  }
0x33: {  	p0 =	seq.s32 s10, $0x1;
	s10 =	sld [smem:$0x3FB6];
	_ =	sdelay $0x3  }
0x34: {  	[smem:$0x3FB6] =	sst s10  }
0x35: {  	s10 =	sld [smem:$0x3FB5];
	_ =	sdelay $0x3  }
0x36: {  	p1 =	seq.s32 s10, $0x1;
	s10 =	sld [smem:$0x3FB6];
	_ =	sdelay $0x3  }
0x37: {  	[smem:$0x3FB6] =	sst s10  }
0x38: {  	s10 =	sld [smem:$0x3FB7]  }
0x39: {  	_ = 	snop;
	(pc) =	sbr.ind lr, $3  }
0x3a: {  	_ = 	snop  }
0x3b: {  	_ = 	snop  }
0x3c: {  	p2 =	seq.s32 s10, $0x1;
	s10 =	sld [smem:$0x3FB6]  }
0x3d: {  	_ =	shalt  }
0x3e: {  	_ =	shalt  }
0x3f: {  	_ =	shalt  }
0x40: {  	_ =	shalt  }
0x41: {  	_ =	shalt  }
0x42: {  	_ =	shalt  }
0x43: {  	_ =	shalt  }
0x44: {  	_ =	shalt  }
0x45: {  	_ =	shalt  }
0x46: {  	_ =	shalt  }
0x47: {  	_ =	shalt  }
0x48: {  	_ =	shalt  }
0x49: {  	_ =	shalt  }
0x4a: {  	_ =	shalt  }
0x4b: {  	_ =	shalt  }
0x4c: {  	_ =	shalt  }
0x4d: {  	_ =	shalt  }
0x4e: {  	_ =	shalt  }
0x4f: {  	_ =	shalt  }
0x50: {  	_ =	shalt  }
0x51: {  	_ =	shalt  }
0x52: {  	_ =	shalt  }
0x53: {  	_ =	shalt  }
0x54: {  	_ =	shalt  }
0x55: {  	_ =	shalt  }
0x56: {  	_ =	shalt  }
0x57: {  	_ =	shalt  }
0x58: {  	_ =	shalt  }
0x59: {  	_ =	shalt  }
0x5a: {  	_ =	shalt  }
0x5b: {  	_ =	shalt  }
0x5c: {  	_ =	shalt  }
0x5d: {  	_ =	shalt  }
0x5e: {  	_ =	shalt  }
0x5f: {  	_ =	shalt  }
0x60: {  	_ =	shalt  }
0x61: {  	_ =	shalt  }
0x62: {  	_ =	shalt  }
0x63: {  	_ =	shalt  }
0x64: {  	_ =	shalt  }
0x65: {  	_ =	shalt  }
0x66: {  	_ =	shalt  }
0x67: {  	_ =	shalt  }
0x68: {  	_ =	shalt  }
0x69: {  	_ =	shalt  }
0x6a: {  	_ =	shalt  }
0x6b: {  	_ =	shalt  }
0x6c: {  	_ =	shalt  }
0x6d: {  	_ =	shalt  }
0x6e: {  	_ =	shalt  }
0x6f: {  	_ =	shalt  }
0x70: {  	_ =	shalt  }
0x71: {  	_ =	shalt  }
0x72: {  	_ =	shalt  }
0x73: {  	_ =	shalt  }
0x74: {  	_ =	shalt  }
0x75: {  	_ =	shalt  }
0x76: {  	_ =	shalt  }
0x77: {  	_ =	shalt  }
0x78: {  	_ =	shalt  }
0x79: {  	_ =	shalt  }
0x7a: {  	_ =	shalt  }
0x7b: {  	_ =	shalt  }
0x7c: {  	_ =	shalt  }
0x7d: {  	_ =	shalt  }
0x7e: {  	_ =	shalt  }
0x7f: {  	_ =	shalt  }
0x80: {  	_ =	shalt  }
0x81: {  	_ =	shalt  }
0x82: {  	_ =	shalt  }
0x83: {  	_ =	shalt  }
0x84: {  	_ =	shalt  }
0x85: {  	_ =	shalt  }
0x86: {  	_ =	shalt  }
0x87: {  	_ =	shalt  }
.Lfunc_end0:
.L_simem_size_0:
called_computation.1_lowered:
.L_overlay_start_0:
0x88: {  	s2 =	sld [smem:$0x3FD9]  }
0x89: {  	s3 =	sld [smem:$0x3FFE];
	_ =	sdelay $0x1  }
0x8a: {  	s1 =	srdreg.scid  }
0x8b: {  	s0 =	sand.u32 $0x1, s1  }
0x8c: {  	s17 =	sshll.u32 s0, $0xA;
	s2 =	sadd.s32 s3, s2  }
0x8d: {  	s2 =	sadd.s32 s2, s17  }
0x8e: {  	[smem:$0x3FC2] =	sst s2  }
0x8f: {  	_ = 	snop  }
0x90: {  	s2 =	sld [smem:$0x3FD0];
	(tm) =	ssettm $0x1  }
0x91: {  	s18 =	sld [smem:$0x3FFB];
	_ =	sdelay $0x3  }
0x92: {  	_ =	strace s18  }
0x93: {  	s3 =	sld [smem:$0x3FFC];
	_ =	sdelay $0x3  }
0x94: {  	_ =	strace s3  }
0x95: {  	s3 =	sld [smem:$0x3FFD];
	_ =	sdelay $0x3  }
0x96: {  	_ =	strace s3  }
0x97: {  	_ =	strace $0x8FFFFFFF  }
0x98: {  	s19 =	sld [smem:$0x3FDB];
	_ =	sdelay $0x1  }
0x99: {  	s4 =	simm.s32 $_scs_section_size  }
0x9a: {  	s5 =	simm.s32 $_size__tile_overlayer_lowered;
	s6 =	simm.s32 $_tile_overlayer_lowered  }
0x9b: {  	s22 =	simm.s32 $0x1BFF;
	s21 =	sshll.u32 s6, $0x1;
	s3 =	sadd.s32 s4, s19  }
0x9c: {  	s7 =	simm.s32 $0x0;
	s20 =	sshll.u32 s5, $0x1;
	s5 =	sadd.s32 s21, s3  }
0x9d: {  	[timem:s7], [sflag:s22] =	dma.local [hbm:s5], s20  }
0x9e: {  	_ =	swait.ge [sflag:s22], s20  }
0x9f: {  	s4 =	ssub.s32 $0x0, s20;
	[sflag:s22] =	ssyncset.done $0x0  }
0xa0: {  	[sflag:s22] =	ssyncadd.s32 s4;
	_ =	sdelay $0x1  }
0xa1: {  	s23 =	simm.s32 $0x1B8B  }
0xa2: {  	_ =	swait.ge [sflag:s23], $0x1  }
0xa3: {  	[sflag:s23] =	ssyncset.done $0x0  }
0xa4: {  	s25 =	simm.s32 $0x1B8E;
	s24 =	sld [smem:$0x3FFE];
	[sflag:s23] =	ssyncadd.s32 $0xFFFFFFFF  }
0xa5: {  	s26 =	simm.s32 $execute0_lowered;
	[smem:$0x3FD2] =	sst s25  }
0xa6: {  	s5 =	sshll.u32 s26, $0x1;
	_ =	strace $0x80000049;
	[dreg:$0x1] =	wrdreg $0xFFFFFFFF  }
0xa7: {  	s28 =	simm.s32 $_size_execute0_lowered;
	s3 =	sadd.s32 s3, s5;
	[dreg:$0x0] =	wrdreg $0x0  }
0xa8: {  	s5 =	sshll.u32 s28, $0x1;
	[dreg:$0x2] =	wrdreg s3  }
0xa9: {  	[dreg:$0x3] =	wrdreg s5  }
0xaa: {  	[dreg:$0x4] =	wrdreg $0xC0  }
0xab: {  	_ =	task [dreg:s7], $0x5FFFF  }
0xac: {  	[dreg:$0x1] =	wrdreg $0xFFFFFFFF  }
0xad: {  	[dreg:$0x0] =	wrdreg $0x60  }
0xae: {  	[dreg:$0x2] =	wrdreg s24  }
0xaf: {  	[dreg:$0x3] =	wrdreg s2  }
0xb0: {  	[dreg:$0x4] =	wrdreg $0x70800  }
0xb1: {  	[dreg:$0x5] =	wrdreg $0x98800  }
0xb2: {  	[dreg:$0x6] =	wrdreg $0x9  }
0xb3: {  	_ =	task.clear_ibuf [dreg:s7], $0x7FFFF;
	_ =	strace $0x90000049  }
0xb4: {  	s29 =	simm.s32 $0x9;
	_ =	strace $0x8000004B  }
0xb5: {  	_ =	swait.ge [sflag:s29], $0x1  }
0xb6: {  	[sflag:s29] =	ssyncadd.s32 $0xFFFFFFFF  }
0xb7: {  	_ =	strace $0x9000004B  }
0xb8: {  	_ =	sfence  }
0xb9: {  	s30 =	sld [smem:$0x0];
	_ =	sdelay $0x2  }
0xba: {  	s31 =	sshll.u32 s1, $0xD;
	s1 =	sshrl.u32 s1, $0x2  }
0xbb: {  	s3 =	sand.u32 $0x4000, s31;
	s1 =	sadd.s32 s1, s30  }
0xbc: {  	s0 =	sor.u32 s3, s0;
	s1 =	sshll.u32 s1, $0x11  }
0xbd: {  	s0 =	sor.u32 s1, s0  }
0xbe: {  	s0 =	sadd.s32 $0x8F2B, s0  }
0xbf: {  	[sflag:s0] =	ssyncadd.remote.s32 $0x1  }
0xc0: {  	_ =	sfence.sel $0xFFFF  }
0xc1: {  	[dreg:$0x0] =	wrdreg $0xFFFFFFFF;
	(pc) =	sbr.abs _section_cstart, $3  }
0xc2: {  	[dreg:$0x1] =	wrdreg $0xFFFFFFFF  }
0xc3: {  	_ =	task.clear_ibuf [dreg:s7], $0x2FFFF;
	_ =	strace $0x9FFFFFFF  }
0xc4: {  	(tm) =	ssettm $0x7FFFFFFF  }
0xc5: {  	_ =	shalt  }
tec
execute0_lowered:
.L_overlay_start_1:
0x0: {  	(tag) =	ssettag $0x1  }
0x1: {  	s0 =	rddreg [dreg:$0x0]  }
0x2: {  	s1 =	srdreg.scid;
	s3 =	rddreg [dreg:$0x2]  }
0x3: {  	s13 =	stileid.u32;
	s4 =	rddreg [dreg:$0x3]  }
0x4: {  	s5 =	simm.s32 $0x0;
	s14 =	simm.s32 $0x9;
	s16 =	simm.s32 $0x2800  }
0x5: {  	s17 =	simm.s32 $0x80;
	s18 =	simm.s32 $0x5080;
	s19 =	simm.s32 $0x5880  }
0x6: {  	s20 =	simm.s32 $0x1;
	s28 =	simm.s32 $0x6880;
	s29 =	simm.s32 $0x3  }
0x7: {  	s31 =	simm.s32 $0x5;
	s21 =	simm.s32 $0x6;
	s30 =	simm.s32 $0x8  }
0x8: {  	s1 =	sand.u32 $0x1, s1;
	s2 =	sshll.u32 s13, $0x1;
	[smem:$0x7FF] =	sst s5  }
0x9: {  	s8 =	smul.u32 $0x2800, s13;
	s23 =	sshll.u32 s13, $0x6;
	s2 =	sor.u32 s1, s2  }
0xa: {  	_ =	strace $0x8000004A;
	s6 =	smul.u32 $0x5000, s1;
	s7 =	ssub.s32 $0x2, s1  }
0xb: {  	p0 =	sne.s32 s1, $0x0;
	s1 =	simm.s32 $0x0;
	s2 =	smul.u32 $0x500, s2  }
0xc: {  	s9 =	sshrl.u32 s8, $0x3;
	s22 =	sshrl.u32 s7, $0x1;
	s12 =	sadd.s32 s8, s3  }
0xd: {  	s15 =	sadd.s32 s8, s4;
	s10 =	sadd.s32 s9, s0;
	s11 =	ssub.s32 s7, s22  }
0xe: {  	s7 =	sor.u32 $0x1C09, s23;
	s15 =	sshrl.u32 s15, $0x3;
	s22 =	simm.s32 $0x6080  }
0xf: {  	s2 =	sadd.s32 s2, s0;
	s0 =	sadd.s32 s6, s0;
	s6 =	smul.u32 $0x280, s13  }
0x10: {  	s23 =	simm.s32 $0x2;
	s13 =	smul.u32 $0xA000, s13;
	s24 =	sadd.s32 $0x20200, s10  }
.Ltmp0:
0x11: {  	[dreg:$0x5] =	wrdreg s24;
	s25 =	sadd.s32 $0x16200, s2;
	(pc) =	sbr.rel .LBB2_1-.Ltmp0, $4  }
0x12: {  	s11 =	smax.u32 s11, $0x1;
	s2 =	sadd.s32 $0x2000, s2;
	[dreg:$0x6] =	wrdreg s25  }
0x13: {  	s0 =	sadd.s32 $0x25200, s0;
	[dreg:$0x7] =	wrdreg s2;
	s26 =	sshrl.u32 s13, $0x2  }
0x14: {  	s13 =	sshrl.u32 s12, $0x3;
	s24 =	sadd.s32 s9, s0;
	s0 =	simm.s32 $0x4  }
0x15: {  	v0 =	vlaneseq.u32;
	s2 =	simm.s32 $0x5000;
	s8 =	sadd.s32 s26, s4;
	s26 =	simm.s32 $0x7  }
.LBB2_7:
0x16: {  	_ =	swait.ge [sflag:s14], $0x800  }
0x17: {  	[sflag:s14] =	ssyncset.done $0x0  }
0x18: {  	[sflag:s14] =	ssyncadd.s32 $0xFFFFF800  }
0x19: {  	[spmem:s3] =	stream.indirect.scatter.add.f32 [tilespmem:s18], [sflag:$0x9], $0x10, s2, s17, $0xb8;
	[tilespmem:$0xC080] =	vst v63  }
0x1a: {  	_ =	swait.ge [sflag:s14], $0x800  }
0x1b: {  	[sflag:s14] =	ssyncset.done $0x0  }
0x1c: {  	[sflag:s14] =	ssyncadd.s32 $0xFFFFF800  }
.LBB2_8:
0x1d: {  	s1 =	sadd.s32 $0x1, s1  }
0x1e: {  	p1 =	sne.s32 s1, s11  }
.Ltmp1:
0x1f: {  	[bflag:$0x0] =	sbarrier.arrive $0xFFFF;
	(pc) =	sbr.rel @!p1 .LBB2_9-.Ltmp1, $4  }
0x20: {  	[hbm:s24], [sflag:s7] =	dma.local [spmem:s13], $0x500  }
0x21: {  	_ =	swait.ge [sflag:s14], $0x500  }
0x22: {  	[sflag:s14] =	ssyncset.done $0x0  }
0x23: {  	[sflag:s14] =	ssyncadd.s32 $0xFFFFFB00  }
.LBB2_1:
0x24: {  	s9 =	rddreg [dreg:$0x1]  }
0x25: {  	[spmem:s13], [sflag:s7] =	dma.local [hbm:s9], $0x500  }
0x26: {  	_ =	swait.ge [sflag:s14], $0x500  }
0x27: {  	[sflag:s14] =	ssyncset.done $0x0  }
0x28: {  	s25 =	rddreg [dreg:$0x5];
	[sflag:s14] =	ssyncadd.s32 $0xFFFFFB00  }
0x29: {  	[spmem:s15], [sflag:s7] =	dma.local [hbm:s25], $0x500  }
0x2a: {  	_ =	swait.ge [sflag:s14], $0x500  }
0x2b: {  	[sflag:s14] =	ssyncset.done $0x0  }
0x2c: {  	s10 =	rddreg [dreg:$0x6];
	[sflag:s14] =	ssyncadd.s32 $0xFFFFFB00  }
0x2d: {  	[tilespmem:s5], [sflag:$0x9] =	stream.linear.gather [hbm4b:s10+s5], $0x2800, $0x38;
	[tilespmem:$0xC080] =	vst v63  }
0x2e: {  	_ =	swait.ge [sflag:s14], $0x2800  }
0x2f: {  	[sflag:s14] =	ssyncset.done $0x0  }
0x30: {  	s12 =	rddreg [dreg:$0x7];
	[sflag:s14] =	ssyncadd.s32 $0xFFFFD800  }
0x31: {  	[tilespmem:s16], [sflag:$0x9] =	stream.linear.gather [hbm4b:s12+s5], $0x2800, $0x38;
	[tilespmem:$0xC080] =	vst v63  }
0x32: {  	_ =	swait.ge [sflag:s14], $0x2800  }
0x33: {  	[sflag:s14] =	ssyncset.done $0x0  }
0x34: {  	[sflag:s14] =	ssyncadd.s32 $0xFFFFD800  }
0x35: {  	[bflag:$0x0] =	sbarrier.arrive $0xFFFF  }
0x36: {  	[tilespmem:s18], [sflag:$0x1] =	stream.indirect.gather [spmem:s4], $0x10, s5, s17, $0xb8;
	[tilespmem:$0xC080] =	vst v63  }
0x37: {  	_ = 	snop  }
0x38: {  	[tilespmem:s19], [sflag:$0x2] =	stream.indirect.gather [spmem:s4], $0x10, s17, s17, $0xb8;
	[tilespmem:$0xC080] =	vst v63  }
0x39: {  	_ =	swait.ge [sflag:s20], $0x800  }
0x3a: {  	[sflag:s20] =	ssyncset.done $0x0  }
0x3b: {  	[sflag:s20] =	ssyncadd.s32 $0xFFFFF800  }
0x3c: {  	[spmem:s3] =	stream.indirect.scatter.add.f32 [tilespmem:s18], [sflag:$0x5], $0x10, s16, s17, $0xb8;
	[tilespmem:$0xC080] =	vst v63  }
0x3d: {  	s25 =	simm.s32 $0x100  }
0x3e: {  	[tilespmem:s22], [sflag:$0x3] =	stream.indirect.gather [spmem:s4], $0x10, s25, s17, $0xb8;
	[tilespmem:$0xC080] =	vst v63  }
0x3f: {  	_ =	swait.ge [sflag:s23], $0x800  }
0x40: {  	[sflag:s23] =	ssyncset.done $0x0  }
0x41: {  	s10 =	simm.s32 $0x2880;
	[sflag:s23] =	ssyncadd.s32 $0xFFFFF800  }
0x42: {  	[spmem:s3] =	stream.indirect.scatter.add.f32 [tilespmem:s19], [sflag:$0x6], $0x10, s10, s17, $0xb8;
	[tilespmem:$0xC080] =	vst v63  }
0x43: {  	s12 =	simm.s32 $0x180  }
0x44: {  	[tilespmem:s28], [sflag:$0x4] =	stream.indirect.gather [spmem:s4], $0x10, s12, s17, $0xb8;
	[tilespmem:$0xC080] =	vst v63  }
0x45: {  	_ =	swait.ge [sflag:s29], $0x800  }
0x46: {  	[sflag:s29] =	ssyncset.done $0x0  }
0x47: {  	s25 =	simm.s32 $0x2900;
	[sflag:s29] =	ssyncadd.s32 $0xFFFFF800  }
0x48: {  	[spmem:s3] =	stream.indirect.scatter.add.f32 [tilespmem:s22], [sflag:$0x7], $0x10, s25, s17, $0xb8;
	[tilespmem:$0xC080] =	vst v63  }
0x49: {  	_ =	swait.ge [sflag:s31], $0x800  }
0x4a: {  	[sflag:s31] =	ssyncset.done $0x0  }
0x4b: {  	s10 =	simm.s32 $0x200;
	[sflag:s31] =	ssyncadd.s32 $0xFFFFF800  }
0x4c: {  	[tilespmem:s18], [sflag:$0x1] =	stream.indirect.gather [spmem:s4], $0x10, s10, s17, $0xb8;
	[tilespmem:$0xC080] =	vst v63  }
0x4d: {  	_ =	swait.ge [sflag:s0], $0x800  }
0x4e: {  	[sflag:s0] =	ssyncset.done $0x0  }
0x4f: {  	s12 =	simm.s32 $0x2980;
	[sflag:s0] =	ssyncadd.s32 $0xFFFFF800  }
0x50: {  	[spmem:s3] =	stream.indirect.scatter.add.f32 [tilespmem:s28], [sflag:$0x8], $0x10, s12, s17, $0xb8;
	[tilespmem:$0xC080] =	vst v63  }
0x51: {  	_ =	swait.ge [sflag:s21], $0x800  }
0x52: {  	[sflag:s21] =	ssyncset.done $0x0  }
0x53: {  	s25 =	simm.s32 $0x280;
	s12 =	simm.s32 $0x0;
	[sflag:s21] =	ssyncadd.s32 $0xFFFFF800  }
0x54: {  	[tilespmem:s19], [sflag:$0x2] =	stream.indirect.gather [spmem:s4], $0x10, s25, s17, $0xb8;
	[tilespmem:$0xC080] =	vst v63  }
.LBB2_2:
0x55: {  	_ =	swait.ge [sflag:s20], $0x800  }
0x56: {  	s25 =	sshra.s32 s12, $0x2;
	[sflag:s20] =	ssyncset.done $0x0  }
0x57: {  	s9 =	sadd.s32 $0x2A00, s25;
	[sflag:s20] =	ssyncadd.s32 $0xFFFFF800  }
0x58: {  	[spmem:s3] =	stream.indirect.scatter.add.f32 [tilespmem:s18], [sflag:$0x5], $0x10, s9, s17, $0xb8;
	[tilespmem:$0xC080] =	vst v63  }
0x59: {  	_ =	swait.ge [sflag:s26], $0x800  }
0x5a: {  	[sflag:s26] =	ssyncset.done $0x0  }
0x5b: {  	s10 =	sadd.s32 $0x300, s25;
	[sflag:s26] =	ssyncadd.s32 $0xFFFFF800  }
0x5c: {  	[tilespmem:s22], [sflag:$0x3] =	stream.indirect.gather [spmem:s4], $0x10, s10, s17, $0xb8;
	[tilespmem:$0xC080] =	vst v63  }
0x5d: {  	_ =	swait.ge [sflag:s23], $0x800  }
0x5e: {  	[sflag:s23] =	ssyncset.done $0x0  }
0x5f: {  	s10 =	sadd.s32 $0x2A80, s25;
	[sflag:s23] =	ssyncadd.s32 $0xFFFFF800  }
0x60: {  	[spmem:s3] =	stream.indirect.scatter.add.f32 [tilespmem:s19], [sflag:$0x6], $0x10, s10, s17, $0xb8;
	[tilespmem:$0xC080] =	vst v63  }
0x61: {  	_ =	swait.ge [sflag:s30], $0x800  }
0x62: {  	[sflag:s30] =	ssyncset.done $0x0  }
0x63: {  	p1 =	seq.s32 s12, $0x9000;
	s10 =	sadd.s32 $0x380, s25;
	[sflag:s30] =	ssyncadd.s32 $0xFFFFF800  }
0x64: {  	[tilespmem:s28], [sflag:$0x4] =	stream.indirect.gather [spmem:s4], $0x10, s10, s17, $0xb8;
	[tilespmem:$0xC080] =	vst v63  }
.Ltmp2:
0x65: {  	_ = 	snop;
	(pc) =	sbr.rel @p1 .LBB2_4-.Ltmp2, $4  }
0x66: {  	_ =	swait.ge [sflag:s29], $0x800  }
0x67: {  	[sflag:s29] =	ssyncset.done $0x0  }
0x68: {  	s9 =	sadd.s32 $0x2B80, s25;
	s10 =	sadd.s32 $0x2B00, s25;
	[sflag:s29] =	ssyncadd.s32 $0xFFFFF800  }
0x69: {  	[spmem:s3] =	stream.indirect.scatter.add.f32 [tilespmem:s22], [sflag:$0x7], $0x10, s10, s17, $0xb8;
	[tilespmem:$0xC080] =	vst v63  }
0x6a: {  	_ =	swait.ge [sflag:s31], $0x800  }
0x6b: {  	[sflag:s31] =	ssyncset.done $0x0  }
0x6c: {  	s10 =	sadd.s32 $0x400, s25;
	[sflag:s31] =	ssyncadd.s32 $0xFFFFF800  }
0x6d: {  	[tilespmem:s18], [sflag:$0x1] =	stream.indirect.gather [spmem:s4], $0x10, s10, s17, $0xb8;
	[tilespmem:$0xC080] =	vst v63  }
0x6e: {  	_ =	swait.ge [sflag:s0], $0x800  }
0x6f: {  	[sflag:s0] =	ssyncset.done $0x0  }
0x70: {  	[sflag:s0] =	ssyncadd.s32 $0xFFFFF800  }
0x71: {  	[spmem:s3] =	stream.indirect.scatter.add.f32 [tilespmem:s28], [sflag:$0x8], $0x10, s9, s17, $0xb8;
	[tilespmem:$0xC080] =	vst v63  }
.Ltmp3:
0x72: {  	_ = 	snop;
	(pc) =	sbr.rel .LBB2_2-.Ltmp3, $4  }
0x73: {  	_ =	swait.ge [sflag:s21], $0x800  }
0x74: {  	[sflag:s21] =	ssyncset.done $0x0  }
0x75: {  	s25 =	sadd.s32 $0x480, s25;
	s12 =	sadd.s32 $0x800, s12;
	[sflag:s21] =	ssyncadd.s32 $0xFFFFF800  }
0x76: {  	[tilespmem:s19], [sflag:$0x2] =	stream.indirect.gather [spmem:s4], $0x10, s25, s17, $0xb8;
	[tilespmem:$0xC080] =	vst v63  }
.LBB2_4:
0x77: {  	_ =	swait.ge [sflag:s0], $0x800  }
0x78: {  	[sflag:s0] =	ssyncset.done $0x0  }
0x79: {  	[sflag:s0] =	ssyncadd.s32 $0xFFFFF800  }
0x7a: {  	[spmem:s3] =	stream.indirect.scatter.add.f32 [tilespmem:s28], [sflag:$0x8], $0x10, s9, s17, $0xb8;
	[tilespmem:$0xC080] =	vst v63  }
0x7b: {  	_ =	swait.ge [sflag:s26], $0x800  }
.Ltmp4:
0x7c: {  	[sflag:s26] =	ssyncset.done $0x0;
	(pc) =	sbr.rel @p0 .LBB2_8-.Ltmp4, $4  }
0x7d: {  	[sflag:s26] =	ssyncadd.s32 $0xFFFFF800  }
0x7e: {  	_ =	swait.ge [sflag:s30], $0x800  }
0x7f: {  	[sflag:s30] =	ssyncset.done $0x0  }
0x80: {  	s12 =	simm.s32 $0x0;
	[sflag:s30] =	ssyncadd.s32 $0xFFFFF800  }
0x81: {  	s9 =	sadd.s32 s12, s6  }
0x82: {  	v1 =	vmov s9  }
0x83: {  	v4 =	vor.u32 s9, v0;
	v2 =	vor.u32 $0x10, v1  }
0x84: {  	v3 =	vor.u32 $0x20, v1;
	v5 =	vor.u32 $0x40, v1;
	v2 =	vbroadcast v2, $0x0  }
0x85: {  	v6 =	vor.u32 $0x60, v1;
	v62 =	vor.u32 $0x70, v1;
	v3 =	vbroadcast v3, $0x0  }
0x86: {  	[tilespmem:$0x5000] =	vst v4;
	v63 =	vor.u32 $0x50, v1;
	v5 =	vbroadcast v5, $0x0;
	v2 =	vor.u32 v0, v2  }
0x87: {  	v1 =	vor.u32 $0x30, v1;
	v4 =	vbroadcast v62, $0x0;
	v3 =	vor.u32 v0, v3;
	[tilespmem:$0x5010] =	vst v2  }
0x88: {  	v1 =	vbroadcast v1, $0x0;
	v5 =	vor.u32 v0, v5;
	[tilespmem:$0x5020] =	vst v3  }
0x89: {  	v4 =	vor.u32 v0, v4;
	v2 =	vbroadcast v6, $0x0;
	[tilespmem:$0x5040] =	vst v5  }
0x8a: {  	v1 =	vor.u32 v0, v1;
	v3 =	vbroadcast v63, $0x0;
	[tilespmem:$0x5070] =	vst v4  }
0x8b: {  	[tilespmem:$0x5030] =	vst v1;
	v2 =	vor.u32 v0, v2  }
0x8c: {  	[tilespmem:$0x5060] =	vst v2;
	v2 =	vor.u32 v0, v3  }
0x8d: {  	s25 =	sadd.s32 $0x80, s12;
	s12 =	smov.u32 s8;
	[tilespmem:$0x5050] =	vst v2  }
0x8e: {  	[tilespmem:s18], [sflag:$0x9] =	stream.linear.gather [spmem:s8], $0x800, $0x38;
	[tilespmem:$0xC080] =	vst v63  }
.LBB2_6:
0x8f: {  	p1 =	sne.s32 s25, $0x200;
	_ =	swait.ge [sflag:s14], $0x800;
	s12 =	sadd.s32 $0x800, s12  }
0x90: {  	s9 =	sadd.s32 s25, s6;
	s25 =	sadd.s32 $0x80, s25;
	[sflag:s14] =	ssyncset.done $0x0  }
0x91: {  	[sflag:s14] =	ssyncadd.s32 $0xFFFFF800  }
0x92: {  	v1 =	vmov s9;
	v2 =	vor.u32 s9, v0;
	[spmem:s3] =	stream.indirect.scatter.add.f32 [tilespmem:s18], [sflag:$0x9], $0x10, s2, s17, $0xb8;
	[tilespmem:$0xC080] =	vst v63  }
0x93: {  	v3 =	vor.u32 $0x10, v1;
	v4 =	vor.u32 $0x20, v1;
	v5 =	vor.u32 $0x70, v1;
	_ =	swait.ge [sflag:s14], $0x800  }
0x94: {  	v6 =	vor.u32 $0x40, v1;
	v3 =	vbroadcast v3, $0x0;
	v4 =	vbroadcast v4, $0x0;
	[sflag:s14] =	ssyncset.done $0x0  }
0x95: {  	v7 =	vor.u32 $0x60, v1;
	v6 =	vbroadcast v6, $0x0;
	v5 =	vbroadcast v5, $0x0;
	[sflag:s14] =	ssyncadd.s32 $0xFFFFF800  }
0x96: {  	[tilespmem:$0x5000] =	vst v2;
	v2 =	vor.u32 v0, v3;
	v3 =	vor.u32 v0, v4;
	v4 =	vor.u32 $0x50, v1  }
0x97: {  	v5 =	vor.u32 v0, v5;
	[tilespmem:$0x5010] =	vst v2;
	v2 =	vor.u32 v0, v6;
	v6 =	vbroadcast v7, $0x0  }
0x98: {  	v1 =	vor.u32 $0x30, v1;
	[tilespmem:$0x5020] =	vst v3;
	v3 =	vbroadcast v4, $0x0  }
0x99: {  	v1 =	vbroadcast v1, $0x0;
	[tilespmem:$0x5040] =	vst v2;
	v2 =	vor.u32 v0, v6  }
.Ltmp5:
0x9a: {  	v3 =	vor.u32 v0, v3;
	[tilespmem:$0x5060] =	vst v2;
	(pc) =	sbr.rel @p1 .LBB2_6-.Ltmp5, $4  }
0x9b: {  	v1 =	vor.u32 v0, v1;
	[tilespmem:$0x5070] =	vst v5  }
0x9c: {  	[tilespmem:$0x5050] =	vst v3  }
0x9d: {  	[tilespmem:$0x5030] =	vst v1  }
0x9e: {  	[tilespmem:s18], [sflag:$0x9] =	stream.linear.gather [spmem:s12], $0x800, $0x38;
	[tilespmem:$0xC080] =	vst v63  }
.Ltmp6:
0x9f: {  	_ = 	snop;
	(pc) =	sbr.rel .LBB2_7-.Ltmp6, $1  }
0xa0: {  	_ =	sdelay $0x3  }
.LBB2_9:
0xa1: {  	_ =	sfence.sel $0x180000  }
0xa2: {  	[bflag:$0x0] =	sbarrier.arrive $0xFFFF  }
0xa3: {  	_ =	strace $0x9000004A  }
0xa4: {  	s0 =	stileid.u32;
	[bflag:$0x2] =	sbarrier.arrive $0xFFFF  }
0xa5: {  	p0 =	sne.s32 s0, $0x0;
	s0 =	rddreg [dreg:$0x4]  }
0xa6: {  	s0 =	sadd.s32 @!p0 $0x100000, s0  }
0xa7: {  	[sflag:s0] =	ssyncadd.tile.s32 @!p0 $0x1;
	_ =	shalt  }
.Lfunc_end2:
_tile_overlayer_lowered:
.L_overlay_start_2:
0xa8: {  	(tag) =	ssettag $0x2  }
0xa9: {  	s0 =	rddreg [dreg:$0x0];
	s2 =	stileid.u32  }
0xaa: {  	s1 =	rddreg [dreg:$0x1];
	p0 =	sne.s32 s2, $0x0  }
0xab: {  	s3 =	rddreg [dreg:$0x2];
	[bflag:$0x3] =	sbarrier.arrive $0xFFFF;
	s2 =	simm.s32 @!p0 $0x1C09  }
0xac: {  	[timem:s3], [sflag:s2] =	dma.local @!p0 [hbm:s0], s1  }
0xad: {  	s0 =	simm.s32 @!p0 $0x9  }
0xae: {  	_ =	swait.ge @!p0 [sflag:s0], s1  }
0xaf: {  	s1 =	ssub.s32 @!p0 $0x0, s1;
	[sflag:s0] =	ssyncset.done @!p0 $0x0  }
0xb0: {  	[sflag:s0] =	ssyncadd.s32 @!p0 s1  }
0xb1: {  	[bflag:$0x3] =	sbarrier.arrive $0xFFFF  }
0xb2: {  	_ =	shalt  }

// kernel: kernel.14.cloned.1.call-start
scs
__scs_entry_jumppad:
0x0: {  	(pc) =	sbr.rel $0x88, $3  }
0x1: {  	(tag) =	ssettag $0x0;
	lr =	simm.s32 $0x1  }
0x2: {  	[smem:$0x3F9B] =	sst lr;
	_ =	strace $0xD0000000  }
0x3: {  	_ = 	snop  }
0x4: {  	_ = 	snop  }
0x5: {  	_ = 	snop  }
0x6: {  	_ = 	snop  }
0x7: {  	_ = 	snop  }
__scs_overlays_trampoline_lowered:
0x8: {  	[smem:$0x3FAA] =	sst s0  }
0x9: {  	[smem:$0x3FAB] =	sst s1  }
0xa: {  	[smem:$0x3FAC] =	sst s2  }
0xb: {  	[smem:$0x3FAD] =	sst s3  }
0xc: {  	[smem:$0x3FAE] =	sst s4  }
0xd: {  	[smem:$0x3FAF] =	sst s5  }
0xe: {  	[smem:$0x3FB0] =	sst s6  }
0xf: {  	[smem:$0x3FB1] =	sst s7  }
0x10: {  	[smem:$0x3FB2] =	sst s8  }
0x11: {  	[smem:$0x3FB3] =	sst s9;
	s0 =	simm.s32 @!p0 $0x0  }
0x12: {  	s1 =	sld [smem:$0x3F99];
	s0 =	simm.s32 @p0 $0x1  }
0x13: {  	[smem:$0x3FB4] =	sst s0;
	s0 =	simm.s32 @!p1 $0x0  }
0x14: {  	s2 =	sld [smem:$0x3F98];
	s0 =	simm.s32 @p1 $0x1  }
0x15: {  	[smem:$0x3FB5] =	sst s0;
	s0 =	simm.s32 @!p2 $0x0  }
0x16: {  	s3 =	sld [smem:$0x3FDB];
	s0 =	simm.s32 @p2 $0x1  }
0x17: {  	s4 =	simm.s32 $0x1BF5;
	[smem:$0x3FB7] =	sst s0  }
0x18: {  	s0 =	sld [smem:$0x3F9A];
	_ =	swait.ge [sflag:s4], $0x0  }
0x19: {  	s7 =	sld [smem:$0x3F9B]  }
0x1a: {  	s8 =	sadd.s32 $0xFFFFE003, lr  }
0x1b: {  	s9 =	sadd.s32 $0xFFFFFEF7, lr;
	s5 =	simm.s32 $0xFFFFFFFF;
	p2 =	slt.u32 s8, $0xFFFFF086  }
0x1c: {  	p1 =	slt.u32 s9, $0xF7A;
	s5 =	simm.s32 @!p2 $0x0  }
0x1d: {  	s5 =	simm.s32 @p1 $0x1;
	p0 =	seq.s32 s7, s2  }
0x1e: {  	s7 =	smul.u32 @!p0 $0xF7A, s2;
	p2 =	seq.s32 @!p0 s5, $0x0  }
0x1f: {  	s9 =	smul.u32 $0xF7A, s1;
	s8 =	simm.s32 @!p0 $0x1BF5;
	p2 =	por !p2, p0  }
0x20: {  	[sflag:s8] =	ssyncset.s32 @!p0 $0xFFFFF086;
	s6 =	sadd.s32 @!p0 s3, s7;
	s7 =	simm.s32 @!p0 $0x108  }
0x21: {  	s3 =	sadd.s32 s3, s9;
	s6 =	sadd.s32 @!p0 $0x88, s6;
	s7 =	simm.s32 @p2 $0x1082  }
0x22: {  	[simem:s7], [sflag:s8] =	dma.local @!p0 [hbm:s6], $0xF7A  }
0x23: {  	s9 =	sor.u32 $0xD0000000, s2;
	s6 =	simm.s32 $0x108;
	_ =	swait.ge @!p0 [sflag:s8], $0x0  }
0x24: {  	s3 =	sadd.s32 $0x88, s3;
	s6 =	simm.s32 @!p1 $0x1082;
	[sflag:s4] =	ssyncset.s32 $0xFFFFF086  }
0x25: {  	[simem:s6], [sflag:s4] =	dma.local [hbm:s3], $0xF7A  }
0x26: {  	[smem:$0x3F9B] =	sst s1;
	(tag) =	ssettag s2;
	_ =	strace s9  }
0x27: {  	s1 =	sld [smem:$0x3FAB]  }
0x28: {  	s2 =	sld [smem:$0x3FAC]  }
0x29: {  	s4 =	sld [smem:$0x3FAE]  }
0x2a: {  	p0 =	seq.s32 s5, $0x0;
	s5 =	sld [smem:$0x3FAF]  }
0x2b: {  	s6 =	sld [smem:$0x3FB0]  }
0x2c: {  	s7 =	sld [smem:$0x3FB1]  }
0x2d: {  	s3 =	simm.s32 $0x108;
	s8 =	sld [smem:$0x3FB2]  }
0x2e: {  	s3 =	simm.s32 @!p0 $0x1082;
	s9 =	sld [smem:$0x3FB3]  }
0x2f: {  	lr =	sadd.s32 s0, s3;
	s0 =	sld [smem:$0x3FAA]  }
0x30: {  	s3 =	sld [smem:$0x3FAD]  }
0x31: {  	[smem:$0x3FB6] =	sst s10  }
0x32: {  	s10 =	sld [smem:$0x3FB4];
	_ =	sdelay $0x3  }
0x33: {  	p0 =	seq.s32 s10, $0x1;
	s10 =	sld [smem:$0x3FB6];
	_ =	sdelay $0x3  }
0x34: {  	[smem:$0x3FB6] =	sst s10  }
0x35: {  	s10 =	sld [smem:$0x3FB5];
	_ =	sdelay $0x3  }
0x36: {  	p1 =	seq.s32 s10, $0x1;
	s10 =	sld [smem:$0x3FB6];
	_ =	sdelay $0x3  }
0x37: {  	[smem:$0x3FB6] =	sst s10  }
0x38: {  	s10 =	sld [smem:$0x3FB7]  }
0x39: {  	_ = 	snop;
	(pc) =	sbr.ind lr, $3  }
0x3a: {  	_ = 	snop  }
0x3b: {  	_ = 	snop  }
0x3c: {  	p2 =	seq.s32 s10, $0x1;
	s10 =	sld [smem:$0x3FB6]  }
0x3d: {  	_ =	shalt  }
0x3e: {  	_ =	shalt  }
0x3f: {  	_ =	shalt  }
0x40: {  	_ =	shalt  }
0x41: {  	_ =	shalt  }
0x42: {  	_ =	shalt  }
0x43: {  	_ =	shalt  }
0x44: {  	_ =	shalt  }
0x45: {  	_ =	shalt  }
0x46: {  	_ =	shalt  }
0x47: {  	_ =	shalt  }
0x48: {  	_ =	shalt  }
0x49: {  	_ =	shalt  }
0x4a: {  	_ =	shalt  }
0x4b: {  	_ =	shalt  }
0x4c: {  	_ =	shalt  }
0x4d: {  	_ =	shalt  }
0x4e: {  	_ =	shalt  }
0x4f: {  	_ =	shalt  }
0x50: {  	_ =	shalt  }
0x51: {  	_ =	shalt  }
0x52: {  	_ =	shalt  }
0x53: {  	_ =	shalt  }
0x54: {  	_ =	shalt  }
0x55: {  	_ =	shalt  }
0x56: {  	_ =	shalt  }
0x57: {  	_ =	shalt  }
0x58: {  	_ =	shalt  }
0x59: {  	_ =	shalt  }
0x5a: {  	_ =	shalt  }
0x5b: {  	_ =	shalt  }
0x5c: {  	_ =	shalt  }
0x5d: {  	_ =	shalt  }
0x5e: {  	_ =	shalt  }
0x5f: {  	_ =	shalt  }
0x60: {  	_ =	shalt  }
0x61: {  	_ =	shalt  }
0x62: {  	_ =	shalt  }
0x63: {  	_ =	shalt  }
0x64: {  	_ =	shalt  }
0x65: {  	_ =	shalt  }
0x66: {  	_ =	shalt  }
0x67: {  	_ =	shalt  }
0x68: {  	_ =	shalt  }
0x69: {  	_ =	shalt  }
0x6a: {  	_ =	shalt  }
0x6b: {  	_ =	shalt  }
0x6c: {  	_ =	shalt  }
0x6d: {  	_ =	shalt  }
0x6e: {  	_ =	shalt  }
0x6f: {  	_ =	shalt  }
0x70: {  	_ =	shalt  }
0x71: {  	_ =	shalt  }
0x72: {  	_ =	shalt  }
0x73: {  	_ =	shalt  }
0x74: {  	_ =	shalt  }
0x75: {  	_ =	shalt  }
0x76: {  	_ =	shalt  }
0x77: {  	_ =	shalt  }
0x78: {  	_ =	shalt  }
0x79: {  	_ =	shalt  }
0x7a: {  	_ =	shalt  }
0x7b: {  	_ =	shalt  }
0x7c: {  	_ =	shalt  }
0x7d: {  	_ =	shalt  }
0x7e: {  	_ =	shalt  }
0x7f: {  	_ =	shalt  }
0x80: {  	_ =	shalt  }
0x81: {  	_ =	shalt  }
0x82: {  	_ =	shalt  }
0x83: {  	_ =	shalt  }
0x84: {  	_ =	shalt  }
0x85: {  	_ =	shalt  }
0x86: {  	_ =	shalt  }
0x87: {  	_ =	shalt  }
.Lfunc_end0:
.L_simem_size_0:
called_computation.2_lowered:
.L_overlay_start_0:
0x88: {  	s2 =	sld [smem:$0x3FD9]  }
0x89: {  	s3 =	sld [smem:$0x3FFE];
	_ =	sdelay $0x1  }
0x8a: {  	s1 =	srdreg.scid  }
0x8b: {  	s0 =	sand.u32 $0x1, s1  }
0x8c: {  	s17 =	sshll.u32 s0, $0xA;
	s2 =	sadd.s32 s3, s2  }
0x8d: {  	s2 =	sadd.s32 s2, s17  }
0x8e: {  	[smem:$0x3FC2] =	sst s2  }
0x8f: {  	_ = 	snop  }
0x90: {  	s2 =	sld [smem:$0x3FD0];
	(tm) =	ssettm $0x1  }
0x91: {  	s18 =	sld [smem:$0x3FFB];
	_ =	sdelay $0x3  }
0x92: {  	_ =	strace s18  }
0x93: {  	s3 =	sld [smem:$0x3FFC];
	_ =	sdelay $0x3  }
0x94: {  	_ =	strace s3  }
0x95: {  	s3 =	sld [smem:$0x3FFD];
	_ =	sdelay $0x3  }
0x96: {  	_ =	strace s3  }
0x97: {  	_ =	strace $0x8FFFFFFF  }
0x98: {  	s19 =	sld [smem:$0x3FDB];
	_ =	sdelay $0x1  }
0x99: {  	s4 =	simm.s32 $_scs_section_size  }
0x9a: {  	s5 =	simm.s32 $_size__tile_overlayer_lowered;
	s6 =	simm.s32 $_tile_overlayer_lowered  }
0x9b: {  	s22 =	simm.s32 $0x1BFF;
	s21 =	sshll.u32 s6, $0x1;
	s3 =	sadd.s32 s4, s19  }
0x9c: {  	s7 =	simm.s32 $0x0;
	s20 =	sshll.u32 s5, $0x1;
	s5 =	sadd.s32 s21, s3  }
0x9d: {  	[timem:s7], [sflag:s22] =	dma.local [hbm:s5], s20  }
0x9e: {  	_ =	swait.ge [sflag:s22], s20  }
0x9f: {  	s4 =	ssub.s32 $0x0, s20;
	[sflag:s22] =	ssyncset.done $0x0  }
0xa0: {  	[sflag:s22] =	ssyncadd.s32 s4;
	_ =	sdelay $0x1  }
0xa1: {  	s23 =	simm.s32 $0x1B8B  }
0xa2: {  	_ =	swait.ge [sflag:s23], $0x1  }
0xa3: {  	[sflag:s23] =	ssyncset.done $0x0  }
0xa4: {  	s25 =	simm.s32 $0x1B8E;
	s24 =	sld [smem:$0x3FFE];
	[sflag:s23] =	ssyncadd.s32 $0xFFFFFFFF  }
0xa5: {  	s26 =	simm.s32 $execute0_lowered;
	[smem:$0x3FD2] =	sst s25  }
0xa6: {  	s5 =	sshll.u32 s26, $0x1;
	_ =	strace $0x8000004C;
	[dreg:$0x1] =	wrdreg $0xFFFFFFFF  }
0xa7: {  	s28 =	simm.s32 $_size_execute0_lowered;
	s3 =	sadd.s32 s3, s5;
	[dreg:$0x0] =	wrdreg $0x0  }
0xa8: {  	s5 =	sshll.u32 s28, $0x1;
	[dreg:$0x2] =	wrdreg s3  }
0xa9: {  	[dreg:$0x3] =	wrdreg s5  }
0xaa: {  	[dreg:$0x4] =	wrdreg $0xC0  }
0xab: {  	_ =	task [dreg:s7], $0x5FFFF  }
0xac: {  	[dreg:$0x1] =	wrdreg $0xFFFFFFFF  }
0xad: {  	[dreg:$0x0] =	wrdreg $0x60  }
0xae: {  	[dreg:$0x2] =	wrdreg s24  }
0xaf: {  	[dreg:$0x3] =	wrdreg s2  }
0xb0: {  	[dreg:$0x4] =	wrdreg $0x70800  }
0xb1: {  	[dreg:$0x5] =	wrdreg $0x98800  }
0xb2: {  	[dreg:$0x6] =	wrdreg $0x9  }
0xb3: {  	_ =	task.clear_ibuf [dreg:s7], $0x7FFFF;
	_ =	strace $0x9000004C  }
0xb4: {  	s29 =	simm.s32 $0x9;
	_ =	strace $0x8000004E  }
0xb5: {  	_ =	swait.ge [sflag:s29], $0x1  }
0xb6: {  	[sflag:s29] =	ssyncadd.s32 $0xFFFFFFFF  }
0xb7: {  	_ =	strace $0x9000004E  }
0xb8: {  	_ =	sfence  }
0xb9: {  	s30 =	sld [smem:$0x0];
	_ =	sdelay $0x2  }
0xba: {  	s31 =	sshll.u32 s1, $0xD;
	s1 =	sshrl.u32 s1, $0x2  }
0xbb: {  	s3 =	sand.u32 $0x4000, s31;
	s1 =	sadd.s32 s1, s30  }
0xbc: {  	s0 =	sor.u32 s3, s0;
	s1 =	sshll.u32 s1, $0x11  }
0xbd: {  	s0 =	sor.u32 s1, s0  }
0xbe: {  	s0 =	sadd.s32 $0x8F2B, s0  }
0xbf: {  	[sflag:s0] =	ssyncadd.remote.s32 $0x1  }
0xc0: {  	_ =	sfence.sel $0xFFFF  }
0xc1: {  	[dreg:$0x0] =	wrdreg $0xFFFFFFFF;
	(pc) =	sbr.abs _section_cstart, $3  }
0xc2: {  	[dreg:$0x1] =	wrdreg $0xFFFFFFFF  }
0xc3: {  	_ =	task.clear_ibuf [dreg:s7], $0x2FFFF;
	_ =	strace $0x9FFFFFFF  }
0xc4: {  	(tm) =	ssettm $0x7FFFFFFF  }
0xc5: {  	_ =	shalt  }
tec
execute0_lowered:
.L_overlay_start_1:
0x0: {  	(tag) =	ssettag $0x1  }
0x1: {  	s0 =	rddreg [dreg:$0x0]  }
0x2: {  	s1 =	srdreg.scid;
	s3 =	rddreg [dreg:$0x2]  }
0x3: {  	s13 =	stileid.u32;
	s4 =	rddreg [dreg:$0x3]  }
0x4: {  	s5 =	simm.s32 $0x0;
	s14 =	simm.s32 $0x9;
	s16 =	simm.s32 $0x2800  }
0x5: {  	s17 =	simm.s32 $0x80;
	s18 =	simm.s32 $0x5080;
	s19 =	simm.s32 $0x5880  }
0x6: {  	s20 =	simm.s32 $0x1;
	s28 =	simm.s32 $0x6880;
	s29 =	simm.s32 $0x3  }
0x7: {  	s31 =	simm.s32 $0x5;
	s21 =	simm.s32 $0x6;
	s30 =	simm.s32 $0x8  }
0x8: {  	s1 =	sand.u32 $0x1, s1;
	s2 =	sshll.u32 s13, $0x1;
	[smem:$0x7FF] =	sst s5  }
0x9: {  	s8 =	smul.u32 $0x2800, s13;
	s23 =	sshll.u32 s13, $0x6;
	s2 =	sor.u32 s1, s2  }
0xa: {  	_ =	strace $0x8000004D;
	s6 =	smul.u32 $0x5000, s1;
	s7 =	ssub.s32 $0x2, s1  }
0xb: {  	p0 =	sne.s32 s1, $0x0;
	s1 =	simm.s32 $0x0;
	s2 =	smul.u32 $0x500, s2  }
0xc: {  	s9 =	sshrl.u32 s8, $0x3;
	s22 =	sshrl.u32 s7, $0x1;
	s12 =	sadd.s32 s8, s3  }
0xd: {  	s15 =	sadd.s32 s8, s4;
	s10 =	sadd.s32 s9, s0;
	s11 =	ssub.s32 s7, s22  }
0xe: {  	s7 =	sor.u32 $0x1C09, s23;
	s15 =	sshrl.u32 s15, $0x3;
	s22 =	simm.s32 $0x6080  }
0xf: {  	s2 =	sadd.s32 s2, s0;
	s0 =	sadd.s32 s6, s0;
	s6 =	smul.u32 $0x280, s13  }
0x10: {  	s23 =	simm.s32 $0x2;
	s13 =	smul.u32 $0xA000, s13;
	s24 =	sadd.s32 $0xC000, s10  }
.Ltmp0:
0x11: {  	[dreg:$0x5] =	wrdreg s24;
	s25 =	sadd.s32 $0x16200, s2;
	(pc) =	sbr.rel .LBB2_1-.Ltmp0, $4  }
0x12: {  	s11 =	smax.u32 s11, $0x1;
	s2 =	sadd.s32 $0x2000, s2;
	[dreg:$0x6] =	wrdreg s25  }
0x13: {  	s0 =	sadd.s32 $0x20200, s0;
	[dreg:$0x7] =	wrdreg s2;
	s26 =	sshrl.u32 s13, $0x2  }
0x14: {  	s13 =	sshrl.u32 s12, $0x3;
	s24 =	sadd.s32 s9, s0;
	s0 =	simm.s32 $0x4  }
0x15: {  	v0 =	vlaneseq.u32;
	s2 =	simm.s32 $0x5000;
	s8 =	sadd.s32 s26, s4;
	s26 =	simm.s32 $0x7  }
.LBB2_7:
0x16: {  	_ =	swait.ge [sflag:s14], $0x800  }
0x17: {  	[sflag:s14] =	ssyncset.done $0x0  }
0x18: {  	[sflag:s14] =	ssyncadd.s32 $0xFFFFF800  }
0x19: {  	[spmem:s3] =	stream.indirect.scatter.add.f32 [tilespmem:s18], [sflag:$0x9], $0x10, s2, s17, $0xb8;
	[tilespmem:$0xC080] =	vst v63  }
0x1a: {  	_ =	swait.ge [sflag:s14], $0x800  }
0x1b: {  	[sflag:s14] =	ssyncset.done $0x0  }
0x1c: {  	[sflag:s14] =	ssyncadd.s32 $0xFFFFF800  }
.LBB2_8:
0x1d: {  	s1 =	sadd.s32 $0x1, s1  }
0x1e: {  	p1 =	sne.s32 s1, s11  }
.Ltmp1:
0x1f: {  	[bflag:$0x0] =	sbarrier.arrive $0xFFFF;
	(pc) =	sbr.rel @!p1 .LBB2_9-.Ltmp1, $4  }
0x20: {  	[hbm:s24], [sflag:s7] =	dma.local [spmem:s13], $0x500  }
0x21: {  	_ =	swait.ge [sflag:s14], $0x500  }
0x22: {  	[sflag:s14] =	ssyncset.done $0x0  }
0x23: {  	[sflag:s14] =	ssyncadd.s32 $0xFFFFFB00  }
.LBB2_1:
0x24: {  	s9 =	rddreg [dreg:$0x1]  }
0x25: {  	[spmem:s13], [sflag:s7] =	dma.local [hbm:s9], $0x500  }
0x26: {  	_ =	swait.ge [sflag:s14], $0x500  }
0x27: {  	[sflag:s14] =	ssyncset.done $0x0  }
0x28: {  	s25 =	rddreg [dreg:$0x5];
	[sflag:s14] =	ssyncadd.s32 $0xFFFFFB00  }
0x29: {  	[spmem:s15], [sflag:s7] =	dma.local [hbm:s25], $0x500  }
0x2a: {  	_ =	swait.ge [sflag:s14], $0x500  }
0x2b: {  	[sflag:s14] =	ssyncset.done $0x0  }
0x2c: {  	s10 =	rddreg [dreg:$0x6];
	[sflag:s14] =	ssyncadd.s32 $0xFFFFFB00  }
0x2d: {  	[tilespmem:s5], [sflag:$0x9] =	stream.linear.gather [hbm4b:s10+s5], $0x2800, $0x38;
	[tilespmem:$0xC080] =	vst v63  }
0x2e: {  	_ =	swait.ge [sflag:s14], $0x2800  }
0x2f: {  	[sflag:s14] =	ssyncset.done $0x0  }
0x30: {  	s12 =	rddreg [dreg:$0x7];
	[sflag:s14] =	ssyncadd.s32 $0xFFFFD800  }
0x31: {  	[tilespmem:s16], [sflag:$0x9] =	stream.linear.gather [hbm4b:s12+s5], $0x2800, $0x38;
	[tilespmem:$0xC080] =	vst v63  }
0x32: {  	_ =	swait.ge [sflag:s14], $0x2800  }
0x33: {  	[sflag:s14] =	ssyncset.done $0x0  }
0x34: {  	[sflag:s14] =	ssyncadd.s32 $0xFFFFD800  }
0x35: {  	[bflag:$0x0] =	sbarrier.arrive $0xFFFF  }
0x36: {  	[tilespmem:s18], [sflag:$0x1] =	stream.indirect.gather [spmem:s4], $0x10, s5, s17, $0xb8;
	[tilespmem:$0xC080] =	vst v63  }
0x37: {  	_ = 	snop  }
0x38: {  	[tilespmem:s19], [sflag:$0x2] =	stream.indirect.gather [spmem:s4], $0x10, s17, s17, $0xb8;
	[tilespmem:$0xC080] =	vst v63  }
0x39: {  	_ =	swait.ge [sflag:s20], $0x800  }
0x3a: {  	[sflag:s20] =	ssyncset.done $0x0  }
0x3b: {  	[sflag:s20] =	ssyncadd.s32 $0xFFFFF800  }
0x3c: {  	[spmem:s3] =	stream.indirect.scatter.add.f32 [tilespmem:s18], [sflag:$0x5], $0x10, s16, s17, $0xb8;
	[tilespmem:$0xC080] =	vst v63  }
0x3d: {  	s25 =	simm.s32 $0x100  }
0x3e: {  	[tilespmem:s22], [sflag:$0x3] =	stream.indirect.gather [spmem:s4], $0x10, s25, s17, $0xb8;
	[tilespmem:$0xC080] =	vst v63  }
0x3f: {  	_ =	swait.ge [sflag:s23], $0x800  }
0x40: {  	[sflag:s23] =	ssyncset.done $0x0  }
0x41: {  	s10 =	simm.s32 $0x2880;
	[sflag:s23] =	ssyncadd.s32 $0xFFFFF800  }
0x42: {  	[spmem:s3] =	stream.indirect.scatter.add.f32 [tilespmem:s19], [sflag:$0x6], $0x10, s10, s17, $0xb8;
	[tilespmem:$0xC080] =	vst v63  }
0x43: {  	s12 =	simm.s32 $0x180  }
0x44: {  	[tilespmem:s28], [sflag:$0x4] =	stream.indirect.gather [spmem:s4], $0x10, s12, s17, $0xb8;
	[tilespmem:$0xC080] =	vst v63  }
0x45: {  	_ =	swait.ge [sflag:s29], $0x800  }
0x46: {  	[sflag:s29] =	ssyncset.done $0x0  }
0x47: {  	s25 =	simm.s32 $0x2900;
	[sflag:s29] =	ssyncadd.s32 $0xFFFFF800  }
0x48: {  	[spmem:s3] =	stream.indirect.scatter.add.f32 [tilespmem:s22], [sflag:$0x7], $0x10, s25, s17, $0xb8;
	[tilespmem:$0xC080] =	vst v63  }
0x49: {  	_ =	swait.ge [sflag:s31], $0x800  }
0x4a: {  	[sflag:s31] =	ssyncset.done $0x0  }
0x4b: {  	s10 =	simm.s32 $0x200;
	[sflag:s31] =	ssyncadd.s32 $0xFFFFF800  }
0x4c: {  	[tilespmem:s18], [sflag:$0x1] =	stream.indirect.gather [spmem:s4], $0x10, s10, s17, $0xb8;
	[tilespmem:$0xC080] =	vst v63  }
0x4d: {  	_ =	swait.ge [sflag:s0], $0x800  }
0x4e: {  	[sflag:s0] =	ssyncset.done $0x0  }
0x4f: {  	s12 =	simm.s32 $0x2980;
	[sflag:s0] =	ssyncadd.s32 $0xFFFFF800  }
0x50: {  	[spmem:s3] =	stream.indirect.scatter.add.f32 [tilespmem:s28], [sflag:$0x8], $0x10, s12, s17, $0xb8;
	[tilespmem:$0xC080] =	vst v63  }
0x51: {  	_ =	swait.ge [sflag:s21], $0x800  }
0x52: {  	[sflag:s21] =	ssyncset.done $0x0  }
0x53: {  	s25 =	simm.s32 $0x280;
	s12 =	simm.s32 $0x0;
	[sflag:s21] =	ssyncadd.s32 $0xFFFFF800  }
0x54: {  	[tilespmem:s19], [sflag:$0x2] =	stream.indirect.gather [spmem:s4], $0x10, s25, s17, $0xb8;
	[tilespmem:$0xC080] =	vst v63  }
.LBB2_2:
0x55: {  	_ =	swait.ge [sflag:s20], $0x800  }
0x56: {  	s25 =	sshra.s32 s12, $0x2;
	[sflag:s20] =	ssyncset.done $0x0  }
0x57: {  	s9 =	sadd.s32 $0x2A00, s25;
	[sflag:s20] =	ssyncadd.s32 $0xFFFFF800  }
0x58: {  	[spmem:s3] =	stream.indirect.scatter.add.f32 [tilespmem:s18], [sflag:$0x5], $0x10, s9, s17, $0xb8;
	[tilespmem:$0xC080] =	vst v63  }
0x59: {  	_ =	swait.ge [sflag:s26], $0x800  }
0x5a: {  	[sflag:s26] =	ssyncset.done $0x0  }
0x5b: {  	s10 =	sadd.s32 $0x300, s25;
	[sflag:s26] =	ssyncadd.s32 $0xFFFFF800  }
0x5c: {  	[tilespmem:s22], [sflag:$0x3] =	stream.indirect.gather [spmem:s4], $0x10, s10, s17, $0xb8;
	[tilespmem:$0xC080] =	vst v63  }
0x5d: {  	_ =	swait.ge [sflag:s23], $0x800  }
0x5e: {  	[sflag:s23] =	ssyncset.done $0x0  }
0x5f: {  	s10 =	sadd.s32 $0x2A80, s25;
	[sflag:s23] =	ssyncadd.s32 $0xFFFFF800  }
0x60: {  	[spmem:s3] =	stream.indirect.scatter.add.f32 [tilespmem:s19], [sflag:$0x6], $0x10, s10, s17, $0xb8;
	[tilespmem:$0xC080] =	vst v63  }
0x61: {  	_ =	swait.ge [sflag:s30], $0x800  }
0x62: {  	[sflag:s30] =	ssyncset.done $0x0  }
0x63: {  	p1 =	seq.s32 s12, $0x9000;
	s10 =	sadd.s32 $0x380, s25;
	[sflag:s30] =	ssyncadd.s32 $0xFFFFF800  }
0x64: {  	[tilespmem:s28], [sflag:$0x4] =	stream.indirect.gather [spmem:s4], $0x10, s10, s17, $0xb8;
	[tilespmem:$0xC080] =	vst v63  }
.Ltmp2:
0x65: {  	_ = 	snop;
	(pc) =	sbr.rel @p1 .LBB2_4-.Ltmp2, $4  }
0x66: {  	_ =	swait.ge [sflag:s29], $0x800  }
0x67: {  	[sflag:s29] =	ssyncset.done $0x0  }
0x68: {  	s9 =	sadd.s32 $0x2B80, s25;
	s10 =	sadd.s32 $0x2B00, s25;
	[sflag:s29] =	ssyncadd.s32 $0xFFFFF800  }
0x69: {  	[spmem:s3] =	stream.indirect.scatter.add.f32 [tilespmem:s22], [sflag:$0x7], $0x10, s10, s17, $0xb8;
	[tilespmem:$0xC080] =	vst v63  }
0x6a: {  	_ =	swait.ge [sflag:s31], $0x800  }
0x6b: {  	[sflag:s31] =	ssyncset.done $0x0  }
0x6c: {  	s10 =	sadd.s32 $0x400, s25;
	[sflag:s31] =	ssyncadd.s32 $0xFFFFF800  }
0x6d: {  	[tilespmem:s18], [sflag:$0x1] =	stream.indirect.gather [spmem:s4], $0x10, s10, s17, $0xb8;
	[tilespmem:$0xC080] =	vst v63  }
0x6e: {  	_ =	swait.ge [sflag:s0], $0x800  }
0x6f: {  	[sflag:s0] =	ssyncset.done $0x0  }
0x70: {  	[sflag:s0] =	ssyncadd.s32 $0xFFFFF800  }
0x71: {  	[spmem:s3] =	stream.indirect.scatter.add.f32 [tilespmem:s28], [sflag:$0x8], $0x10, s9, s17, $0xb8;
	[tilespmem:$0xC080] =	vst v63  }
.Ltmp3:
0x72: {  	_ = 	snop;
	(pc) =	sbr.rel .LBB2_2-.Ltmp3, $4  }
0x73: {  	_ =	swait.ge [sflag:s21], $0x800  }
0x74: {  	[sflag:s21] =	ssyncset.done $0x0  }
0x75: {  	s25 =	sadd.s32 $0x480, s25;
	s12 =	sadd.s32 $0x800, s12;
	[sflag:s21] =	ssyncadd.s32 $0xFFFFF800  }
0x76: {  	[tilespmem:s19], [sflag:$0x2] =	stream.indirect.gather [spmem:s4], $0x10, s25, s17, $0xb8;
	[tilespmem:$0xC080] =	vst v63  }
.LBB2_4:
0x77: {  	_ =	swait.ge [sflag:s0], $0x800  }
0x78: {  	[sflag:s0] =	ssyncset.done $0x0  }
0x79: {  	[sflag:s0] =	ssyncadd.s32 $0xFFFFF800  }
0x7a: {  	[spmem:s3] =	stream.indirect.scatter.add.f32 [tilespmem:s28], [sflag:$0x8], $0x10, s9, s17, $0xb8;
	[tilespmem:$0xC080] =	vst v63  }
0x7b: {  	_ =	swait.ge [sflag:s26], $0x800  }
.Ltmp4:
0x7c: {  	[sflag:s26] =	ssyncset.done $0x0;
	(pc) =	sbr.rel @p0 .LBB2_8-.Ltmp4, $4  }
0x7d: {  	[sflag:s26] =	ssyncadd.s32 $0xFFFFF800  }
0x7e: {  	_ =	swait.ge [sflag:s30], $0x800  }
0x7f: {  	[sflag:s30] =	ssyncset.done $0x0  }
0x80: {  	s12 =	simm.s32 $0x0;
	[sflag:s30] =	ssyncadd.s32 $0xFFFFF800  }
0x81: {  	s9 =	sadd.s32 s12, s6  }
0x82: {  	v1 =	vmov s9  }
0x83: {  	v4 =	vor.u32 s9, v0;
	v2 =	vor.u32 $0x10, v1  }
0x84: {  	v3 =	vor.u32 $0x20, v1;
	v5 =	vor.u32 $0x40, v1;
	v2 =	vbroadcast v2, $0x0  }
0x85: {  	v6 =	vor.u32 $0x60, v1;
	v62 =	vor.u32 $0x70, v1;
	v3 =	vbroadcast v3, $0x0  }
0x86: {  	[tilespmem:$0x5000] =	vst v4;
	v63 =	vor.u32 $0x50, v1;
	v5 =	vbroadcast v5, $0x0;
	v2 =	vor.u32 v0, v2  }
0x87: {  	v1 =	vor.u32 $0x30, v1;
	v4 =	vbroadcast v62, $0x0;
	v3 =	vor.u32 v0, v3;
	[tilespmem:$0x5010] =	vst v2  }
0x88: {  	v1 =	vbroadcast v1, $0x0;
	v5 =	vor.u32 v0, v5;
	[tilespmem:$0x5020] =	vst v3  }
0x89: {  	v4 =	vor.u32 v0, v4;
	v2 =	vbroadcast v6, $0x0;
	[tilespmem:$0x5040] =	vst v5  }
0x8a: {  	v1 =	vor.u32 v0, v1;
	v3 =	vbroadcast v63, $0x0;
	[tilespmem:$0x5070] =	vst v4  }
0x8b: {  	[tilespmem:$0x5030] =	vst v1;
	v2 =	vor.u32 v0, v2  }
0x8c: {  	[tilespmem:$0x5060] =	vst v2;
	v2 =	vor.u32 v0, v3  }
0x8d: {  	s25 =	sadd.s32 $0x80, s12;
	s12 =	smov.u32 s8;
	[tilespmem:$0x5050] =	vst v2  }
0x8e: {  	[tilespmem:s18], [sflag:$0x9] =	stream.linear.gather [spmem:s8], $0x800, $0x38;
	[tilespmem:$0xC080] =	vst v63  }
.LBB2_6:
0x8f: {  	p1 =	sne.s32 s25, $0x200;
	_ =	swait.ge [sflag:s14], $0x800;
	s12 =	sadd.s32 $0x800, s12  }
0x90: {  	s9 =	sadd.s32 s25, s6;
	s25 =	sadd.s32 $0x80, s25;
	[sflag:s14] =	ssyncset.done $0x0  }
0x91: {  	[sflag:s14] =	ssyncadd.s32 $0xFFFFF800  }
0x92: {  	v1 =	vmov s9;
	v2 =	vor.u32 s9, v0;
	[spmem:s3] =	stream.indirect.scatter.add.f32 [tilespmem:s18], [sflag:$0x9], $0x10, s2, s17, $0xb8;
	[tilespmem:$0xC080] =	vst v63  }
0x93: {  	v3 =	vor.u32 $0x10, v1;
	v4 =	vor.u32 $0x20, v1;
	v5 =	vor.u32 $0x70, v1;
	_ =	swait.ge [sflag:s14], $0x800  }
0x94: {  	v6 =	vor.u32 $0x40, v1;
	v3 =	vbroadcast v3, $0x0;
	v4 =	vbroadcast v4, $0x0;
	[sflag:s14] =	ssyncset.done $0x0  }
0x95: {  	v7 =	vor.u32 $0x60, v1;
	v6 =	vbroadcast v6, $0x0;
	v5 =	vbroadcast v5, $0x0;
	[sflag:s14] =	ssyncadd.s32 $0xFFFFF800  }
0x96: {  	[tilespmem:$0x5000] =	vst v2;
	v2 =	vor.u32 v0, v3;
	v3 =	vor.u32 v0, v4;
	v4 =	vor.u32 $0x50, v1  }
0x97: {  	v5 =	vor.u32 v0, v5;
	[tilespmem:$0x5010] =	vst v2;
	v2 =	vor.u32 v0, v6;
	v6 =	vbroadcast v7, $0x0  }
0x98: {  	v1 =	vor.u32 $0x30, v1;
	[tilespmem:$0x5020] =	vst v3;
	v3 =	vbroadcast v4, $0x0  }
0x99: {  	v1 =	vbroadcast v1, $0x0;
	[tilespmem:$0x5040] =	vst v2;
	v2 =	vor.u32 v0, v6  }
.Ltmp5:
0x9a: {  	v3 =	vor.u32 v0, v3;
	[tilespmem:$0x5060] =	vst v2;
	(pc) =	sbr.rel @p1 .LBB2_6-.Ltmp5, $4  }
0x9b: {  	v1 =	vor.u32 v0, v1;
	[tilespmem:$0x5070] =	vst v5  }
0x9c: {  	[tilespmem:$0x5050] =	vst v3  }
0x9d: {  	[tilespmem:$0x5030] =	vst v1  }
0x9e: {  	[tilespmem:s18], [sflag:$0x9] =	stream.linear.gather [spmem:s12], $0x800, $0x38;
	[tilespmem:$0xC080] =	vst v63  }
.Ltmp6:
0x9f: {  	_ = 	snop;
	(pc) =	sbr.rel .LBB2_7-.Ltmp6, $1  }
0xa0: {  	_ =	sdelay $0x3  }
.LBB2_9:
0xa1: {  	_ =	sfence.sel $0x180000  }
0xa2: {  	[bflag:$0x0] =	sbarrier.arrive $0xFFFF  }
0xa3: {  	_ =	strace $0x9000004D  }
0xa4: {  	s0 =	stileid.u32;
	[bflag:$0x2] =	sbarrier.arrive $0xFFFF  }
0xa5: {  	p0 =	sne.s32 s0, $0x0;
	s0 =	rddreg [dreg:$0x4]  }
0xa6: {  	s0 =	sadd.s32 @!p0 $0x100000, s0  }
0xa7: {  	[sflag:s0] =	ssyncadd.tile.s32 @!p0 $0x1;
	_ =	shalt  }
.Lfunc_end2:
_tile_overlayer_lowered:
.L_overlay_start_2:
0xa8: {  	(tag) =	ssettag $0x2  }
0xa9: {  	s0 =	rddreg [dreg:$0x0];
	s2 =	stileid.u32  }
0xaa: {  	s1 =	rddreg [dreg:$0x1];
	p0 =	sne.s32 s2, $0x0  }
0xab: {  	s3 =	rddreg [dreg:$0x2];
	[bflag:$0x3] =	sbarrier.arrive $0xFFFF;
	s2 =	simm.s32 @!p0 $0x1C09  }
0xac: {  	[timem:s3], [sflag:s2] =	dma.local @!p0 [hbm:s0], s1  }
0xad: {  	s0 =	simm.s32 @!p0 $0x9  }
0xae: {  	_ =	swait.ge @!p0 [sflag:s0], s1  }
0xaf: {  	s1 =	ssub.s32 @!p0 $0x0, s1;
	[sflag:s0] =	ssyncset.done @!p0 $0x0  }
0xb0: {  	[sflag:s0] =	ssyncadd.s32 @!p0 s1  }
0xb1: {  	[bflag:$0x3] =	sbarrier.arrive $0xFFFF  }
0xb2: {  	_ =	shalt  }

// kernel: kernel.8.cloned.1.call-start
scs
__scs_entry_jumppad:
0x0: {  	(pc) =	sbr.rel $0x88, $3  }
0x1: {  	(tag) =	ssettag $0x0;
	lr =	simm.s32 $0x1  }
0x2: {  	[smem:$0x3F9B] =	sst lr;
	_ =	strace $0xD0000000  }
0x3: {  	_ = 	snop  }
0x4: {  	_ = 	snop  }
0x5: {  	_ = 	snop  }
0x6: {  	_ = 	snop  }
0x7: {  	_ = 	snop  }
__scs_overlays_trampoline_lowered:
0x8: {  	[smem:$0x3FAA] =	sst s0  }
0x9: {  	[smem:$0x3FAB] =	sst s1  }
0xa: {  	[smem:$0x3FAC] =	sst s2  }
0xb: {  	[smem:$0x3FAD] =	sst s3  }
0xc: {  	[smem:$0x3FAE] =	sst s4  }
0xd: {  	[smem:$0x3FAF] =	sst s5  }
0xe: {  	[smem:$0x3FB0] =	sst s6  }
0xf: {  	[smem:$0x3FB1] =	sst s7  }
0x10: {  	[smem:$0x3FB2] =	sst s8  }
0x11: {  	[smem:$0x3FB3] =	sst s9;
	s0 =	simm.s32 @!p0 $0x0  }
0x12: {  	s1 =	sld [smem:$0x3F99];
	s0 =	simm.s32 @p0 $0x1  }
0x13: {  	[smem:$0x3FB4] =	sst s0;
	s0 =	simm.s32 @!p1 $0x0  }
0x14: {  	s2 =	sld [smem:$0x3F98];
	s0 =	simm.s32 @p1 $0x1  }
0x15: {  	[smem:$0x3FB5] =	sst s0;
	s0 =	simm.s32 @!p2 $0x0  }
0x16: {  	s3 =	sld [smem:$0x3FDB];
	s0 =	simm.s32 @p2 $0x1  }
0x17: {  	s4 =	simm.s32 $0x1BF5;
	[smem:$0x3FB7] =	sst s0  }
0x18: {  	s0 =	sld [smem:$0x3F9A];
	_ =	swait.ge [sflag:s4], $0x0  }
0x19: {  	s7 =	sld [smem:$0x3F9B]  }
0x1a: {  	s8 =	sadd.s32 $0xFFFFE003, lr  }
0x1b: {  	s9 =	sadd.s32 $0xFFFFFEF7, lr;
	s5 =	simm.s32 $0xFFFFFFFF;
	p2 =	slt.u32 s8, $0xFFFFF086  }
0x1c: {  	p1 =	slt.u32 s9, $0xF7A;
	s5 =	simm.s32 @!p2 $0x0  }
0x1d: {  	s5 =	simm.s32 @p1 $0x1;
	p0 =	seq.s32 s7, s2  }
0x1e: {  	s7 =	smul.u32 @!p0 $0xF7A, s2;
	p2 =	seq.s32 @!p0 s5, $0x0  }
0x1f: {  	s9 =	smul.u32 $0xF7A, s1;
	s8 =	simm.s32 @!p0 $0x1BF5;
	p2 =	por !p2, p0  }
0x20: {  	[sflag:s8] =	ssyncset.s32 @!p0 $0xFFFFF086;
	s6 =	sadd.s32 @!p0 s3, s7;
	s7 =	simm.s32 @!p0 $0x108  }
0x21: {  	s3 =	sadd.s32 s3, s9;
	s6 =	sadd.s32 @!p0 $0x88, s6;
	s7 =	simm.s32 @p2 $0x1082  }
0x22: {  	[simem:s7], [sflag:s8] =	dma.local @!p0 [hbm:s6], $0xF7A  }
0x23: {  	s9 =	sor.u32 $0xD0000000, s2;
	s6 =	simm.s32 $0x108;
	_ =	swait.ge @!p0 [sflag:s8], $0x0  }
0x24: {  	s3 =	sadd.s32 $0x88, s3;
	s6 =	simm.s32 @!p1 $0x1082;
	[sflag:s4] =	ssyncset.s32 $0xFFFFF086  }
0x25: {  	[simem:s6], [sflag:s4] =	dma.local [hbm:s3], $0xF7A  }
0x26: {  	[smem:$0x3F9B] =	sst s1;
	(tag) =	ssettag s2;
	_ =	strace s9  }
0x27: {  	s1 =	sld [smem:$0x3FAB]  }
0x28: {  	s2 =	sld [smem:$0x3FAC]  }
0x29: {  	s4 =	sld [smem:$0x3FAE]  }
0x2a: {  	p0 =	seq.s32 s5, $0x0;
	s5 =	sld [smem:$0x3FAF]  }
0x2b: {  	s6 =	sld [smem:$0x3FB0]  }
0x2c: {  	s7 =	sld [smem:$0x3FB1]  }
0x2d: {  	s3 =	simm.s32 $0x108;
	s8 =	sld [smem:$0x3FB2]  }
0x2e: {  	s3 =	simm.s32 @!p0 $0x1082;
	s9 =	sld [smem:$0x3FB3]  }
0x2f: {  	lr =	sadd.s32 s0, s3;
	s0 =	sld [smem:$0x3FAA]  }
0x30: {  	s3 =	sld [smem:$0x3FAD]  }
0x31: {  	[smem:$0x3FB6] =	sst s10  }
0x32: {  	s10 =	sld [smem:$0x3FB4];
	_ =	sdelay $0x3  }
0x33: {  	p0 =	seq.s32 s10, $0x1;
	s10 =	sld [smem:$0x3FB6];
	_ =	sdelay $0x3  }
0x34: {  	[smem:$0x3FB6] =	sst s10  }
0x35: {  	s10 =	sld [smem:$0x3FB5];
	_ =	sdelay $0x3  }
0x36: {  	p1 =	seq.s32 s10, $0x1;
	s10 =	sld [smem:$0x3FB6];
	_ =	sdelay $0x3  }
0x37: {  	[smem:$0x3FB6] =	sst s10  }
0x38: {  	s10 =	sld [smem:$0x3FB7]  }
0x39: {  	_ = 	snop;
	(pc) =	sbr.ind lr, $3  }
0x3a: {  	_ = 	snop  }
0x3b: {  	_ = 	snop  }
0x3c: {  	p2 =	seq.s32 s10, $0x1;
	s10 =	sld [smem:$0x3FB6]  }
0x3d: {  	_ =	shalt  }
0x3e: {  	_ =	shalt  }
0x3f: {  	_ =	shalt  }
0x40: {  	_ =	shalt  }
0x41: {  	_ =	shalt  }
0x42: {  	_ =	shalt  }
0x43: {  	_ =	shalt  }
0x44: {  	_ =	shalt  }
0x45: {  	_ =	shalt  }
0x46: {  	_ =	shalt  }
0x47: {  	_ =	shalt  }
0x48: {  	_ =	shalt  }
0x49: {  	_ =	shalt  }
0x4a: {  	_ =	shalt  }
0x4b: {  	_ =	shalt  }
0x4c: {  	_ =	shalt  }
0x4d: {  	_ =	shalt  }
0x4e: {  	_ =	shalt  }
0x4f: {  	_ =	shalt  }
0x50: {  	_ =	shalt  }
0x51: {  	_ =	shalt  }
0x52: {  	_ =	shalt  }
0x53: {  	_ =	shalt  }
0x54: {  	_ =	shalt  }
0x55: {  	_ =	shalt  }
0x56: {  	_ =	shalt  }
0x57: {  	_ =	shalt  }
0x58: {  	_ =	shalt  }
0x59: {  	_ =	shalt  }
0x5a: {  	_ =	shalt  }
0x5b: {  	_ =	shalt  }
0x5c: {  	_ =	shalt  }
0x5d: {  	_ =	shalt  }
0x5e: {  	_ =	shalt  }
0x5f: {  	_ =	shalt  }
0x60: {  	_ =	shalt  }
0x61: {  	_ =	shalt  }
0x62: {  	_ =	shalt  }
0x63: {  	_ =	shalt  }
0x64: {  	_ =	shalt  }
0x65: {  	_ =	shalt  }
0x66: {  	_ =	shalt  }
0x67: {  	_ =	shalt  }
0x68: {  	_ =	shalt  }
0x69: {  	_ =	shalt  }
0x6a: {  	_ =	shalt  }
0x6b: {  	_ =	shalt  }
0x6c: {  	_ =	shalt  }
0x6d: {  	_ =	shalt  }
0x6e: {  	_ =	shalt  }
0x6f: {  	_ =	shalt  }
0x70: {  	_ =	shalt  }
0x71: {  	_ =	shalt  }
0x72: {  	_ =	shalt  }
0x73: {  	_ =	shalt  }
0x74: {  	_ =	shalt  }
0x75: {  	_ =	shalt  }
0x76: {  	_ =	shalt  }
0x77: {  	_ =	shalt  }
0x78: {  	_ =	shalt  }
0x79: {  	_ =	shalt  }
0x7a: {  	_ =	shalt  }
0x7b: {  	_ =	shalt  }
0x7c: {  	_ =	shalt  }
0x7d: {  	_ =	shalt  }
0x7e: {  	_ =	shalt  }
0x7f: {  	_ =	shalt  }
0x80: {  	_ =	shalt  }
0x81: {  	_ =	shalt  }
0x82: {  	_ =	shalt  }
0x83: {  	_ =	shalt  }
0x84: {  	_ =	shalt  }
0x85: {  	_ =	shalt  }
0x86: {  	_ =	shalt  }
0x87: {  	_ =	shalt  }
.Lfunc_end0:
.L_simem_size_0:
called_computation_lowered:
.L_overlay_start_0:
0x88: {  	s2 =	sld [smem:$0x3FD9]  }
0x89: {  	s3 =	sld [smem:$0x3FFE];
	_ =	sdelay $0x1  }
0x8a: {  	s1 =	srdreg.scid  }
0x8b: {  	s0 =	sand.u32 $0x1, s1  }
0x8c: {  	s17 =	sshll.u32 s0, $0xA;
	s2 =	sadd.s32 s3, s2  }
0x8d: {  	s2 =	sadd.s32 s2, s17  }
0x8e: {  	[smem:$0x3FC2] =	sst s2  }
0x8f: {  	_ = 	snop  }
0x90: {  	s2 =	sld [smem:$0x3FD0];
	(tm) =	ssettm $0x1  }
0x91: {  	s18 =	sld [smem:$0x3FFB];
	_ =	sdelay $0x3  }
0x92: {  	_ =	strace s18  }
0x93: {  	s3 =	sld [smem:$0x3FFC];
	_ =	sdelay $0x3  }
0x94: {  	_ =	strace s3  }
0x95: {  	s3 =	sld [smem:$0x3FFD];
	_ =	sdelay $0x3  }
0x96: {  	_ =	strace s3  }
0x97: {  	_ =	strace $0x8FFFFFFF  }
0x98: {  	s19 =	sld [smem:$0x3FDB];
	_ =	sdelay $0x1  }
0x99: {  	s4 =	simm.s32 $_scs_section_size  }
0x9a: {  	s5 =	simm.s32 $_size__tile_overlayer_lowered;
	s6 =	simm.s32 $_tile_overlayer_lowered  }
0x9b: {  	s22 =	simm.s32 $0x1BFF;
	s21 =	sshll.u32 s6, $0x1;
	s3 =	sadd.s32 s4, s19  }
0x9c: {  	s7 =	simm.s32 $0x0;
	s20 =	sshll.u32 s5, $0x1;
	s5 =	sadd.s32 s21, s3  }
0x9d: {  	[timem:s7], [sflag:s22] =	dma.local [hbm:s5], s20  }
0x9e: {  	_ =	swait.ge [sflag:s22], s20  }
0x9f: {  	s4 =	ssub.s32 $0x0, s20;
	[sflag:s22] =	ssyncset.done $0x0  }
0xa0: {  	[sflag:s22] =	ssyncadd.s32 s4;
	_ =	sdelay $0x1  }
0xa1: {  	s23 =	simm.s32 $0x1B8B  }
0xa2: {  	_ =	swait.ge [sflag:s23], $0x1  }
0xa3: {  	[sflag:s23] =	ssyncset.done $0x0  }
0xa4: {  	s25 =	simm.s32 $0x1B8E;
	s24 =	sld [smem:$0x3FFE];
	[sflag:s23] =	ssyncadd.s32 $0xFFFFFFFF  }
0xa5: {  	s26 =	simm.s32 $execute0_lowered;
	[smem:$0x3FD2] =	sst s25  }
0xa6: {  	s5 =	sshll.u32 s26, $0x1;
	_ =	strace $0x80000046;
	[dreg:$0x1] =	wrdreg $0xFFFFFFFF  }
0xa7: {  	s28 =	simm.s32 $_size_execute0_lowered;
	s3 =	sadd.s32 s3, s5;
	[dreg:$0x0] =	wrdreg $0x0  }
0xa8: {  	s5 =	sshll.u32 s28, $0x1;
	[dreg:$0x2] =	wrdreg s3  }
0xa9: {  	[dreg:$0x3] =	wrdreg s5  }
0xaa: {  	[dreg:$0x4] =	wrdreg $0xC0  }
0xab: {  	_ =	task [dreg:s7], $0x5FFFF  }
0xac: {  	[dreg:$0x1] =	wrdreg $0xFFFFFFFF  }
0xad: {  	[dreg:$0x0] =	wrdreg $0x60  }
0xae: {  	[dreg:$0x2] =	wrdreg s24  }
0xaf: {  	[dreg:$0x3] =	wrdreg s2  }
0xb0: {  	[dreg:$0x4] =	wrdreg $0x30000  }
0xb1: {  	[dreg:$0x5] =	wrdreg $0x9  }
0xb2: {  	_ =	task.clear_ibuf [dreg:s7], $0x6FFFF;
	_ =	strace $0x90000046  }
0xb3: {  	s29 =	simm.s32 $0x9;
	_ =	strace $0x80000048  }
0xb4: {  	_ =	swait.ge [sflag:s29], $0x1  }
0xb5: {  	[sflag:s29] =	ssyncadd.s32 $0xFFFFFFFF  }
0xb6: {  	_ =	strace $0x90000048  }
0xb7: {  	_ =	sfence  }
0xb8: {  	s30 =	sld [smem:$0x0];
	_ =	sdelay $0x2  }
0xb9: {  	s31 =	sshll.u32 s1, $0xD;
	s1 =	sshrl.u32 s1, $0x2  }
0xba: {  	s3 =	sand.u32 $0x4000, s31;
	s1 =	sadd.s32 s1, s30  }
0xbb: {  	s0 =	sor.u32 s3, s0;
	s1 =	sshll.u32 s1, $0x11  }
0xbc: {  	s0 =	sor.u32 s1, s0  }
0xbd: {  	s0 =	sadd.s32 $0x8F2B, s0  }
0xbe: {  	[sflag:s0] =	ssyncadd.remote.s32 $0x1  }
0xbf: {  	_ =	sfence.sel $0xFFFF  }
0xc0: {  	[dreg:$0x0] =	wrdreg $0xFFFFFFFF;
	(pc) =	sbr.abs _section_cstart, $3  }
0xc1: {  	[dreg:$0x1] =	wrdreg $0xFFFFFFFF  }
0xc2: {  	_ =	task.clear_ibuf [dreg:s7], $0x2FFFF;
	_ =	strace $0x9FFFFFFF  }
0xc3: {  	(tm) =	ssettm $0x7FFFFFFF  }
tec
execute0_lowered:
.L_overlay_start_1:
0x0: {  	(tag) =	ssettag $0x1  }
0x1: {  	s6 =	rddreg [dreg:$0x0]  }
0x2: {  	s2 =	rddreg [dreg:$0x1];
	s1 =	srdreg.scid  }
0x3: {  	s0 =	stileid.u32;
	s3 =	rddreg [dreg:$0x2]  }
0x4: {  	s4 =	simm.s32 $0x0;
	s12 =	simm.s32 $0x80;
	s13 =	simm.s32 $0x1  }
0x5: {  	s5 =	sand.u32 $0x1, s1;
	s7 =	sshll.u32 s0, $0x1;
	s1 =	rddreg [dreg:$0x3]  }
0x6: {  	[smem:$0x7FF] =	sst s4;
	s10 =	smul.u32 $0x2800, s0;
	s31 =	sshll.u32 s0, $0x6  }
0x7: {  	s7 =	sor.u32 s5, s7;
	_ =	strace $0x80000047;
	s8 =	smul.u32 $0x5000, s5  }
0x8: {  	s9 =	ssub.s32 $0x2, s5;
	s5 =	sadd.s32 $0xC000, s6;
	s7 =	smul.u32 $0x500, s7  }
0x9: {  	s30 =	sshrl.u32 s9, $0x1;
	s11 =	sadd.s32 s10, s3;
	s15 =	sshrl.u32 s10, $0x3  }
0xa: {  	s10 =	simm.s32 $0x2;
	s8 =	sadd.s32 s8, s6;
	s9 =	ssub.s32 s9, s30  }
0xb: {  	s7 =	sadd.s32 s7, s6;
	s6 =	sor.u32 $0x1C02, s31;
	s14 =	sadd.s32 $0xC200, s8  }
0xc: {  	s8 =	smax.u32 s9, $0x1;
	s9 =	sshrl.u32 s11, $0x3;
	s11 =	simm.s32 $0x2800  }
0xd: {  	s7 =	sadd.s32 $0x2000, s7;
	s14 =	sadd.s32 s15, s14;
	s15 =	simm.s32 $0x0  }
.LBB2_1:
0xe: {  	[spmem:s9], [sflag:s6] =	dma.local [hbm:s2], $0x500  }
0xf: {  	_ =	swait.ge [sflag:s10], $0x500  }
0x10: {  	[sflag:s10] =	ssyncset.done $0x0  }
0x11: {  	[sflag:s10] =	ssyncadd.s32 $0xFFFFFB00  }
0x12: {  	[tilespmem:s11], [sflag:$0x2] =	stream.linear.gather [hbm4b:s5+s4], $0x800, $0x38;
	[tilespmem:$0x5800] =	vst v63  }
0x13: {  	_ =	swait.ge [sflag:s10], $0x800  }
0x14: {  	[sflag:s10] =	ssyncset.done $0x0  }
0x15: {  	[sflag:s10] =	ssyncadd.s32 $0xFFFFF800  }
0x16: {  	[tilespmem:s4], [sflag:$0x2] =	stream.linear.gather [hbm4b:s7+s4], $0x2800, $0x38;
	[tilespmem:$0x5800] =	vst v63  }
0x17: {  	_ =	swait.ge [sflag:s10], $0x2800  }
0x18: {  	[sflag:s10] =	ssyncset.done $0x0  }
0x19: {  	[sflag:s10] =	ssyncadd.s32 $0xFFFFD800  }
0x1a: {  	s16 =	simm.s32 $0x0;
	[bflag:$0x0] =	sbarrier.arrive $0xFFFF  }
.LBB2_2:
0x1b: {  	p0 =	sne.s32 s16, $0x9E00  }
.Ltmp0:
0x1c: {  	_ = 	snop;
	(pc) =	sbr.rel @p0 .LBB2_2-.Ltmp0, $3  }
0x1d: {  	_ =	sdelay $0x1  }
0x1e: {  	s17 =	sshra.s32 s16, $0x2;
	s16 =	sadd.s32 $0x200, s16  }
0x1f: {  	[spmem:s3] =	stream.indirect.scatter.add.f32 [tilespmem:s11], [sflag:$0x1], $0x10, s17, s12, $0xb8;
	[tilespmem:$0x5800] =	vst v63  }
0x20: {  	_ =	swait.ge [sflag:s13], $0x800  }
0x21: {  	s16 =	simm.s32 $0x4F;
	[sflag:s13] =	ssyncset.done $0x0  }
.LBB2_4:
0x22: {  	p0 =	sne.s32 s16, $0x1;
	s16 =	sadd.s32 $0xFFFFFFFF, s16;
	[sflag:s13] =	ssyncadd.s32 $0xFFFFF800  }
.Ltmp1:
0x23: {  	(pc) =	sbr.rel @p0 .LBB2_4-.Ltmp1, $3  }
0x24: {  	_ =	sdelay $0x1  }
0x25: {  	_ =	swait.ge [sflag:s13], $0x800  }
0x26: {  	[sflag:s13] =	ssyncset.done $0x0  }
0x27: {  	s15 =	sadd.s32 $0x1, s15  }
0x28: {  	[sflag:s13] =	ssyncadd.s32 $0xFFFFF800;
	p0 =	sne.s32 s15, s8  }
.Ltmp2:
0x29: {  	[bflag:$0x0] =	sbarrier.arrive $0xFFFF;
	(pc) =	sbr.rel @p0 .LBB2_1-.Ltmp2, $4  }
0x2a: {  	[hbm:s14], [sflag:s6] =	dma.local [spmem:s9], $0x500  }
0x2b: {  	_ =	swait.ge [sflag:s10], $0x500  }
0x2c: {  	[sflag:s10] =	ssyncset.done $0x0  }
0x2d: {  	[sflag:s10] =	ssyncadd.s32 $0xFFFFFB00  }
0x2e: {  	_ =	sfence.sel $0x180000  }
0x2f: {  	[bflag:$0x0] =	sbarrier.arrive $0xFFFF  }
0x30: {  	p0 =	sne.s32 s0, $0x0;
	_ =	strace $0x90000047  }
0x31: {  	s0 =	sadd.s32 @!p0 $0x100000, s1;
	[bflag:$0x2] =	sbarrier.arrive $0xFFFF  }
0x32: {  	[sflag:s0] =	ssyncadd.tile.s32 @!p0 $0x1;
	_ =	shalt  }
.Lfunc_end2:
_tile_overlayer_lowered:
.L_overlay_start_2:
0x33: {  	(tag) =	ssettag $0x2  }
0x34: {  	s0 =	rddreg [dreg:$0x0];
	s2 =	stileid.u32  }
0x35: {  	s1 =	rddreg [dreg:$0x1];
	p0 =	sne.s32 s2, $0x0  }
0x36: {  	s3 =	rddreg [dreg:$0x2];
	[bflag:$0x3] =	sbarrier.arrive $0xFFFF;
	s2 =	simm.s32 @!p0 $0x1C02  }
0x37: {  	[timem:s3], [sflag:s2] =	dma.local @!p0 [hbm:s0], s1  }
0x38: {  	s0 =	simm.s32 @!p0 $0x2  }
0x39: {  	_ =	swait.ge @!p0 [sflag:s0], s1  }
0x3a: {  	s1 =	ssub.s32 @!p0 $0x0, s1;
	[sflag:s0] =	ssyncset.done @!p0 $0x0  }
0x3b: {  	[sflag:s0] =	ssyncadd.s32 @!p0 s1  }
0x3c: {  	[bflag:$0x3] =	sbarrier.arrive $0xFFFF  }
0x3d: {  	_ =	shalt  }

</sc_bundles>
